<compile_context>
chip_gen: v7x
topology: tpu7x:2x2x1
jax: 0.10.2.dev20260603
libtpu: 0.0.44.dev20260713+nightly
codegen_flags: <defaults>
</compile_context>

<pallas_src>
import functools

import jax
import jax.numpy as jnp
from jax import lax
from jax.experimental import pallas as pl
from jax.experimental.pallas import tpu as pltpu
from jax.experimental.pallas import tpu_sc as plsc

S, D, F, E = 2048, 768, 256, 8
BLK = 128
NB = 24
NSLOT = NB * BLK
NW = 32


def _plan(xt, Wr):
    def body(x_ref, wr_ref, pos_ref, be_ref):
        logits = jnp.dot(x_ref[...], wr_ref[...],
                         preferred_element_type=jnp.float32)
        iota_e = lax.broadcasted_iota(jnp.int32, (S, E), 1).astype(jnp.float32)
        max_l = jnp.max(logits, axis=1, keepdims=True)
        eqm = (logits == max_l).astype(jnp.float32)
        e_star = (E - 1) - jnp.max(eqm * ((E - 1) - iota_e), axis=1,
                                   keepdims=True)
        oh = (iota_e == e_star).astype(jnp.float32)
        ii = lax.broadcasted_iota(jnp.int32, (BLK, BLK), 0)
        jj = lax.broadcasted_iota(jnp.int32, (BLK, BLK), 1)
        tril = (ii >= jj).astype(jnp.float32)
        parts = []
        acc = jnp.zeros((1, E), jnp.float32)
        for c in range(S // BLK):
            part = jnp.dot(tril, oh[c * BLK:(c + 1) * BLK, :],
                           preferred_element_type=jnp.float32)
            parts.append(part + acc)
            acc = acc + part[BLK - 1:BLK, :]
        ranks_incl = jnp.concatenate(parts, axis=0)
        counts = acc
        padded = jnp.ceil(counts * (1.0 / BLK)) * BLK
        ee = lax.broadcasted_iota(jnp.int32, (E, E), 0)
        ff = lax.broadcasted_iota(jnp.int32, (E, E), 1)
        lt_strict = (ee < ff).astype(jnp.float32)
        starts = jnp.dot(padded, lt_strict,
                         preferred_element_type=jnp.float32)
        pos = jnp.sum((starts + ranks_incl - 1.0) * oh, axis=1)
        pos_ref[...] = pos.astype(jnp.int32)
        sblk = starts * (1.0 / BLK)
        nb_iota = lax.broadcasted_iota(jnp.int32, (NB, E), 0).astype(jnp.float32)
        be = jnp.sum((nb_iota >= sblk).astype(jnp.float32), axis=1) - 1.0
        be_ref[...] = jnp.clip(be, 0.0, E - 1.0).astype(jnp.int32)

    return pl.pallas_call(
        body,
        out_shape=[
            jax.ShapeDtypeStruct((S,), jnp.int32),
            jax.ShapeDtypeStruct((NB,), jnp.int32),
        ],
    )(xt, Wr)


def _sc_scatter(xt, position):
    bpw = S // NW
    mesh = plsc.VectorSubcoreMesh(core_axis_name="c", subcore_axis_name="s",
                                  num_cores=2, num_subcores=16)

    @functools.partial(
        pl.kernel,
        mesh=mesh,
        out_type=jax.ShapeDtypeStruct((NSLOT, D), jnp.float32),
        scratch_types=[
            pltpu.VMEM((bpw,), jnp.int32),
            pltpu.VMEM((bpw, D), jnp.float32),
            pltpu.SemaphoreType.DMA,
        ],
    )
    def k(x_hbm, pos_hbm, out_hbm, idx_v, rows_v, sem):
        wid = lax.axis_index("s") * 2 + lax.axis_index("c")
        base = wid * bpw
        pltpu.sync_copy(pos_hbm.at[pl.ds(base, bpw)], idx_v)
        pltpu.sync_copy(x_hbm.at[pl.ds(base, bpw)], rows_v)
        pltpu.async_copy(rows_v, out_hbm.at[idx_v], sem).wait()

    return k(xt, position)


def _sc_gather(table, idx, nrows):
    bpw = nrows // NW
    d = table.shape[1]
    mesh = plsc.VectorSubcoreMesh(core_axis_name="c", subcore_axis_name="s",
                                  num_cores=2, num_subcores=16)

    @functools.partial(
        pl.kernel,
        mesh=mesh,
        out_type=jax.ShapeDtypeStruct((nrows, d), jnp.float32),
        scratch_types=[
            pltpu.VMEM((bpw,), jnp.int32),
            pltpu.VMEM((bpw, d), jnp.float32),
            pltpu.SemaphoreType.DMA,
        ],
    )
    def k(table_hbm, idx_hbm, out_hbm, idx_v, rows_v, sem):
        wid = lax.axis_index("s") * 2 + lax.axis_index("c")
        base = wid * bpw
        pltpu.sync_copy(idx_hbm.at[pl.ds(base, bpw)], idx_v)
        pltpu.async_copy(table_hbm.at[idx_v], rows_v, sem).wait()
        pltpu.sync_copy(rows_v, out_hbm.at[pl.ds(base, bpw)])

    return k(table, idx)


def _grouped_mlp(block_expert, xs, Wg, Wu, Wd):
    def body(be_ref, xs_ref, wg_ref, wu_ref, wd_ref, out_ref):
        xb = xs_ref[...]
        g = jnp.dot(xb, wg_ref[0], preferred_element_type=jnp.float32)
        u = jnp.dot(xb, wu_ref[0], preferred_element_type=jnp.float32)
        h = g * lax.logistic(g) * u
        out_ref[...] = jnp.dot(h, wd_ref[0], preferred_element_type=jnp.float32)

    grid_spec = pltpu.PrefetchScalarGridSpec(
        num_scalar_prefetch=1,
        grid=(NB,),
        in_specs=[
            pl.BlockSpec((BLK, D), lambda i, be: (i, 0)),
            pl.BlockSpec((1, D, F), lambda i, be: (be[i], 0, 0)),
            pl.BlockSpec((1, D, F), lambda i, be: (be[i], 0, 0)),
            pl.BlockSpec((1, F, D), lambda i, be: (be[i], 0, 0)),
        ],
        out_specs=pl.BlockSpec((BLK, D), lambda i, be: (i, 0)),
    )
    return pl.pallas_call(
        body,
        grid_spec=grid_spec,
        out_shape=jax.ShapeDtypeStruct((NSLOT, D), jnp.float32),
    )(block_expert, xs, Wg, Wu, Wd)


def kernel(x, Wr, Wg, Wu, Wd):
    b, s, d = x.shape
    xt = x.reshape(s, d)
    position, block_expert = _plan(xt, Wr)
    xs = _sc_scatter(xt, position)
    ys = _grouped_mlp(block_expert, xs, Wg, Wu, Wd)
    out = _sc_gather(ys, position, S)
    return out.reshape(b, s, d)

# --- scband reference (transcript-rebuilt; emitter-appended) ---
"""Pipeline reference for scband-swi-glumo-e-68418829025888 (READ-ONLY COPY).

The authoritative reference and input builder live on the scoring server;
editing this copy changes nothing except your own understanding.
"""

import jax, jax.numpy as jnp
import numpy as np

B, S, D, F, E, TOPK = 1, 2048, 768, 256, 8, 1

def setup_inputs(seed: int = 0) -> dict:
    key = jax.random.key(seed)
    k1, k2, k3, k4, k5 = jax.random.split(key, 5)
    x = jax.random.normal(k1, (B, S, D), dtype=jnp.float32)
    Wr = jax.random.normal(k2, (D, E), dtype=jnp.float32) * 0.02   # router weight (hidden_size -> num_experts)
    Wg = jax.random.normal(k3, (E, D, F), dtype=jnp.float32) * 0.02  # per-expert gate_proj
    Wu = jax.random.normal(k4, (E, D, F), dtype=jnp.float32) * 0.02  # per-expert up_proj
    Wd = jax.random.normal(k5, (E, F, D), dtype=jnp.float32) * 0.02  # per-expert down_proj
    return {"x": x, "Wr": Wr, "Wg": Wg, "Wu": Wu, "Wd": Wd}

def _moe_forward(x, Wr, Wg, Wu, Wd):
    b, s, d = x.shape
    e = Wr.shape[1]
    router_logits = jnp.einsum('bsd,de->bse', x, Wr)
    routing_weights = jax.nn.softmax(router_logits.astype(jnp.float32), axis=-1)
    top_w, selected_experts = jax.lax.top_k(routing_weights, TOPK)
    top_w = top_w / jnp.sum(top_w, axis=-1, keepdims=True)
    # per-token, per-expert combine weight (0 if expert not selected) -- faithful to the
    # torch loop that scatters routing_weights[b,s,k] onto final_output for selected experts
    onehot = jax.nn.one_hot(selected_experts, e, dtype=top_w.dtype)  # [b,s,k,e]
    w_e = jnp.einsum('bske,bsk->bse', onehot, top_w).reshape(b * s, e)
    xt = x.reshape(b * s, d)
    g = jnp.einsum('td,edf->etf', xt, Wg)
    u = jnp.einsum('td,edf->etf', xt, Wu)
    h = jax.nn.silu(g) * u  # SwiGLU: silu(gate) * up
    y = jnp.einsum('etf,efd->etd', h, Wd)
    out = jnp.einsum('etd,te->td', y, w_e.astype(x.dtype))
    return out.reshape(b, s, d)

def reference(x, Wr, Wg, Wu, Wd):
    return _moe_forward(x, Wr, Wg, Wu, Wd)

if __name__ == "__main__":
    import jax
    _d = setup_inputs()
    print(jax.jit(kernel)(*tuple(_d.values())))

</pallas_src>

<mosaic_0001>
#map = affine_map<(d0, d1) -> (0, 0)>
#map1 = affine_map<(d0, d1) -> (0)>
module attributes {stable_mosaic.version = 14 : i64} {
  func.func @k(%arg0: i32, %arg1: i32, %arg2: memref<2048x768xf32, #tpu.memory_space<hbm>>, %arg3: memref<2048xi32, #tpu.memory_space<hbm>>, %arg4: memref<3072x768xf32, #tpu.memory_space<hbm>>, %arg5: memref<64xi32, #tpu.memory_space<vmem>>, %arg6: memref<64x768xf32, #tpu.memory_space<vmem>>, %arg7: memref<!tpu.dma_semaphore, #tpu.memory_space<semaphore_mem>>) attributes {dimension_semantics = [#tpu.dimension_semantics<core_parallel>, #tpu.dimension_semantics<subcore_parallel>], iteration_bounds = array<i64: 2, 16>, scalar_prefetch = 0 : i64, scratch_operands = 3 : i64, tpu.core_type = #tpu.core_type<sc_vector_subcore>, window_params = [{transform_indices = #map}, {transform_indices = #map1}, {transform_indices = #map}]} {
    %mul3A = arith.constant 2 : i32
    %mul3A_0 = arith.muli %arg1, %mul3A : i32
    %add3A = arith.addi %mul3A_0, %arg0 : i32
    %mul3A_1 = arith.constant 64 : i32
    %mul3A_2 = arith.muli %add3A, %mul3A_1 : i32
    "tpu.region"() ({
      %run_scoped3A = tpu.sem_alloc : memref<!tpu.dma_semaphore, #tpu.memory_space<semaphore_mem>>
      %dma_start3A_7 = tpu.memref_slice %arg3[%mul3A_2] : memref<2048xi32, #tpu.memory_space<hbm>> -> memref<64xi32, #tpu.memory_space<hbm>>
      %dma_start3A_8 = tpu.memref_slice %arg3[%mul3A_2] : memref<2048xi32, #tpu.memory_space<hbm>> -> memref<64xi32, #tpu.memory_space<hbm>>
      tpu.enqueue_dma source(%dma_start3A_8 : memref<64xi32, #tpu.memory_space<hbm>>) target(%arg5 : memref<64xi32, #tpu.memory_space<vmem>>) target_semaphore(%run_scoped3A : memref<!tpu.dma_semaphore, #tpu.memory_space<semaphore_mem>>)
      %dma_wait3A_9 = tpu.memref_slice %arg3[%mul3A_2] : memref<2048xi32, #tpu.memory_space<hbm>> -> memref<64xi32, #tpu.memory_space<hbm>>
      %dma_wait3A_10 = tpu.memref_slice %arg3[%mul3A_2] : memref<2048xi32, #tpu.memory_space<hbm>> -> memref<64xi32, #tpu.memory_space<hbm>>
      tpu.wait_dma2 semaphore(%run_scoped3A : memref<!tpu.dma_semaphore, #tpu.memory_space<semaphore_mem>>) src(%dma_wait3A_10 : memref<64xi32, #tpu.memory_space<hbm>>) dst(%arg5 : memref<64xi32, #tpu.memory_space<vmem>>)
      tpu.yield
    }) : () -> ()
    "tpu.region"() ({
      %run_scoped3A = tpu.sem_alloc : memref<!tpu.dma_semaphore, #tpu.memory_space<semaphore_mem>>
      %dma_start3A_7 = arith.constant 0 : i32
      %dma_start3A_8 = tpu.memref_slice %arg2[%mul3A_2, %dma_start3A_7] : memref<2048x768xf32, #tpu.memory_space<hbm>> -> memref<64x768xf32, #tpu.memory_space<hbm>>
      %dma_start3A_9 = arith.constant 0 : i32
      %dma_start3A_10 = tpu.memref_slice %arg2[%mul3A_2, %dma_start3A_9] : memref<2048x768xf32, #tpu.memory_space<hbm>> -> memref<64x768xf32, #tpu.memory_space<hbm>>
      tpu.enqueue_dma source(%dma_start3A_10 : memref<64x768xf32, #tpu.memory_space<hbm>>) target(%arg6 : memref<64x768xf32, #tpu.memory_space<vmem>>) target_semaphore(%run_scoped3A : memref<!tpu.dma_semaphore, #tpu.memory_space<semaphore_mem>>)
      %dma_wait3A_11 = arith.constant 0 : i32
      %dma_wait3A_12 = tpu.memref_slice %arg2[%mul3A_2, %dma_wait3A_11] : memref<2048x768xf32, #tpu.memory_space<hbm>> -> memref<64x768xf32, #tpu.memory_space<hbm>>
      %dma_wait3A_13 = arith.constant 0 : i32
      %dma_wait3A_14 = tpu.memref_slice %arg2[%mul3A_2, %dma_wait3A_13] : memref<2048x768xf32, #tpu.memory_space<hbm>> -> memref<64x768xf32, #tpu.memory_space<hbm>>
      tpu.wait_dma2 semaphore(%run_scoped3A : memref<!tpu.dma_semaphore, #tpu.memory_space<semaphore_mem>>) src(%dma_wait3A_14 : memref<64x768xf32, #tpu.memory_space<hbm>>) dst(%arg6 : memref<64x768xf32, #tpu.memory_space<vmem>>)
      tpu.yield
    }) : () -> ()
    %dma_start3A = arith.constant 0 : i32
    %dma_start3A_3 = arith.constant 0 : i32
    %dma_start3A_4 = tpu.memref_slice %arg4[%dma_start3A, %dma_start3A_3] : memref<3072x768xf32, #tpu.memory_space<hbm>> -> memref<3072x768xf32, #tpu.memory_space<hbm>>
    tpu.enqueue_indirect_dma source(%arg6 : memref<64x768xf32, #tpu.memory_space<vmem>>) target(%dma_start3A_4 : memref<3072x768xf32, #tpu.memory_space<hbm>>) offsets(%arg5 : memref<64xi32, #tpu.memory_space<vmem>>) semaphore(%arg7 : memref<!tpu.dma_semaphore, #tpu.memory_space<semaphore_mem>>)
    %dma_wait3A = arith.constant 0 : i32
    %dma_wait3A_5 = arith.constant 0 : i32
    %dma_wait3A_6 = tpu.memref_slice %arg4[%dma_wait3A, %dma_wait3A_5] : memref<3072x768xf32, #tpu.memory_space<hbm>> -> memref<3072x768xf32, #tpu.memory_space<hbm>>
    tpu.wait_indirect_dma semaphore(%arg7 : memref<!tpu.dma_semaphore, #tpu.memory_space<semaphore_mem>>) src(%arg6 : memref<64x768xf32, #tpu.memory_space<vmem>>) dst(%dma_wait3A_6 : memref<3072x768xf32, #tpu.memory_space<hbm>>)
    return
  }
}

#map = affine_map<(d0, d1) -> (0, 0)>
#map1 = affine_map<(d0, d1) -> (0)>
module attributes {stable_mosaic.version = 14 : i64} {
  func.func @k(%arg0: i32, %arg1: i32, %arg2: memref<3072x768xf32, #tpu.memory_space<hbm>>, %arg3: memref<2048xi32, #tpu.memory_space<hbm>>, %arg4: memref<2048x768xf32, #tpu.memory_space<hbm>>, %arg5: memref<64xi32, #tpu.memory_space<vmem>>, %arg6: memref<64x768xf32, #tpu.memory_space<vmem>>, %arg7: memref<!tpu.dma_semaphore, #tpu.memory_space<semaphore_mem>>) attributes {dimension_semantics = [#tpu.dimension_semantics<core_parallel>, #tpu.dimension_semantics<subcore_parallel>], iteration_bounds = array<i64: 2, 16>, scalar_prefetch = 0 : i64, scratch_operands = 3 : i64, tpu.core_type = #tpu.core_type<sc_vector_subcore>, window_params = [{transform_indices = #map}, {transform_indices = #map1}, {transform_indices = #map}]} {
    %mul3A = arith.constant 2 : i32
    %mul3A_0 = arith.muli %arg1, %mul3A : i32
    %add3A = arith.addi %mul3A_0, %arg0 : i32
    %mul3A_1 = arith.constant 64 : i32
    %mul3A_2 = arith.muli %add3A, %mul3A_1 : i32
    "tpu.region"() ({
      %run_scoped3A = tpu.sem_alloc : memref<!tpu.dma_semaphore, #tpu.memory_space<semaphore_mem>>
      %dma_start3A_7 = tpu.memref_slice %arg3[%mul3A_2] : memref<2048xi32, #tpu.memory_space<hbm>> -> memref<64xi32, #tpu.memory_space<hbm>>
      %dma_start3A_8 = tpu.memref_slice %arg3[%mul3A_2] : memref<2048xi32, #tpu.memory_space<hbm>> -> memref<64xi32, #tpu.memory_space<hbm>>
      tpu.enqueue_dma source(%dma_start3A_8 : memref<64xi32, #tpu.memory_space<hbm>>) target(%arg5 : memref<64xi32, #tpu.memory_space<vmem>>) target_semaphore(%run_scoped3A : memref<!tpu.dma_semaphore, #tpu.memory_space<semaphore_mem>>)
      %dma_wait3A_9 = tpu.memref_slice %arg3[%mul3A_2] : memref<2048xi32, #tpu.memory_space<hbm>> -> memref<64xi32, #tpu.memory_space<hbm>>
      %dma_wait3A_10 = tpu.memref_slice %arg3[%mul3A_2] : memref<2048xi32, #tpu.memory_space<hbm>> -> memref<64xi32, #tpu.memory_space<hbm>>
      tpu.wait_dma2 semaphore(%run_scoped3A : memref<!tpu.dma_semaphore, #tpu.memory_space<semaphore_mem>>) src(%dma_wait3A_10 : memref<64xi32, #tpu.memory_space<hbm>>) dst(%arg5 : memref<64xi32, #tpu.memory_space<vmem>>)
      tpu.yield
    }) : () -> ()
    %dma_start3A = arith.constant 0 : i32
    %dma_start3A_3 = arith.constant 0 : i32
    %dma_start3A_4 = tpu.memref_slice %arg2[%dma_start3A, %dma_start3A_3] : memref<3072x768xf32, #tpu.memory_space<hbm>> -> memref<3072x768xf32, #tpu.memory_space<hbm>>
    tpu.enqueue_indirect_dma source(%dma_start3A_4 : memref<3072x768xf32, #tpu.memory_space<hbm>>) target(%arg6 : memref<64x768xf32, #tpu.memory_space<vmem>>) offsets(%arg5 : memref<64xi32, #tpu.memory_space<vmem>>) semaphore(%arg7 : memref<!tpu.dma_semaphore, #tpu.memory_space<semaphore_mem>>)
    %dma_wait3A = arith.constant 0 : i32
    %dma_wait3A_5 = arith.constant 0 : i32
    %dma_wait3A_6 = tpu.memref_slice %arg2[%dma_wait3A, %dma_wait3A_5] : memref<3072x768xf32, #tpu.memory_space<hbm>> -> memref<3072x768xf32, #tpu.memory_space<hbm>>
    tpu.wait_indirect_dma semaphore(%arg7 : memref<!tpu.dma_semaphore, #tpu.memory_space<semaphore_mem>>) src(%dma_wait3A_6 : memref<3072x768xf32, #tpu.memory_space<hbm>>) dst(%arg6 : memref<64x768xf32, #tpu.memory_space<vmem>>)
    "tpu.region"() ({
      %run_scoped3A = tpu.sem_alloc : memref<!tpu.dma_semaphore, #tpu.memory_space<semaphore_mem>>
      %dma_start3A_7 = arith.constant 0 : i32
      %dma_start3A_8 = tpu.memref_slice %arg4[%mul3A_2, %dma_start3A_7] : memref<2048x768xf32, #tpu.memory_space<hbm>> -> memref<64x768xf32, #tpu.memory_space<hbm>>
      %dma_start3A_9 = arith.constant 0 : i32
      %dma_start3A_10 = tpu.memref_slice %arg4[%mul3A_2, %dma_start3A_9] : memref<2048x768xf32, #tpu.memory_space<hbm>> -> memref<64x768xf32, #tpu.memory_space<hbm>>
      tpu.enqueue_dma source(%arg6 : memref<64x768xf32, #tpu.memory_space<vmem>>) target(%dma_start3A_10 : memref<64x768xf32, #tpu.memory_space<hbm>>) target_semaphore(%run_scoped3A : memref<!tpu.dma_semaphore, #tpu.memory_space<semaphore_mem>>)
      %dma_wait3A_11 = arith.constant 0 : i32
      %dma_wait3A_12 = tpu.memref_slice %arg4[%mul3A_2, %dma_wait3A_11] : memref<2048x768xf32, #tpu.memory_space<hbm>> -> memref<64x768xf32, #tpu.memory_space<hbm>>
      %dma_wait3A_13 = arith.constant 0 : i32
      %dma_wait3A_14 = tpu.memref_slice %arg4[%mul3A_2, %dma_wait3A_13] : memref<2048x768xf32, #tpu.memory_space<hbm>> -> memref<64x768xf32, #tpu.memory_space<hbm>>
      tpu.wait_dma2 semaphore(%run_scoped3A : memref<!tpu.dma_semaphore, #tpu.memory_space<semaphore_mem>>) src(%arg6 : memref<64x768xf32, #tpu.memory_space<vmem>>) dst(%dma_wait3A_14 : memref<64x768xf32, #tpu.memory_space<hbm>>)
      tpu.yield
    }) : () -> ()
    return
  }
}

module attributes {stable_mosaic.version = 14 : i64} {
  func.func @body(%arg0: memref<2048x768xf32, #tpu.memory_space<vmem>>, %arg1: memref<768x8xf32, #tpu.memory_space<vmem>>, %arg2: memref<2048xi32, #tpu.memory_space<vmem>>, %arg3: memref<24xi32, #tpu.memory_space<vmem>>) attributes {dimension_semantics = [], scalar_prefetch = 0 : i64, scratch_operands = 0 : i64, tpu.core_type = #tpu.core_type<tc>} {
    %get3A = arith.constant 0 : index
    %get3A_0 = arith.constant 0 : index
    %get3A_1 = vector.load %arg0[%get3A, %get3A_0] : memref<2048x768xf32, #tpu.memory_space<vmem>>, vector<2048x768xf32>
    %get3A_2 = arith.constant 0 : index
    %get3A_3 = arith.constant 0 : index
    %get3A_4 = vector.load %arg1[%get3A_2, %get3A_3] : memref<768x8xf32, #tpu.memory_space<vmem>>, vector<768x8xf32>
    %dot_general3A = arith.constant dense<0.000000e+00> : vector<2048x8xf32>
    %dot_general3A_5 = tpu.matmul %get3A_1, %get3A_4, %dot_general3A {dimension_numbers = #tpu.dot_dimension_numbers<[1], [0], [0], [1], [0, 0, 1, 1], [], []>, transpose_lhs_hint = false} : vector<2048x768xf32>, vector<768x8xf32>, vector<2048x8xf32> -> vector<2048x8xf32>
    %iota3A = tpu.iota {dimensions = array<i32: 1>} : vector<2048x8xi32>
    %convert_element_type3A = arith.sitofp %iota3A : vector<2048x8xi32> to vector<2048x8xf32>
    %reduce_max3A = arith.constant dense<0xFF800000> : vector<2048xf32>
    %reduce_max3A_6 = vector.multi_reduction <maximumf>, %dot_general3A_5, %reduce_max3A [1] : vector<2048x8xf32> to vector<2048xf32>
    %broadcast_in_dim3A = vector.shape_cast %reduce_max3A_6 : vector<2048xf32> to vector<2048x1xf32>
    %eq3A = vector.broadcast %broadcast_in_dim3A : vector<2048x1xf32> to vector<2048x8xf32>
    %eq3A_7 = arith.cmpf oeq, %dot_general3A_5, %eq3A : vector<2048x8xf32>
    %convert_element_type3A_8 = arith.extui %eq3A_7 : vector<2048x8xi1> to vector<2048x8xi32>
    %convert_element_type3A_9 = arith.sitofp %convert_element_type3A_8 : vector<2048x8xi32> to vector<2048x8xf32>
    %sub3A = arith.constant 7.000000e+00 : f32
    %sub3A_10 = vector.broadcast %sub3A : f32 to vector<2048x8xf32>
    %sub3A_11 = arith.subf %sub3A_10, %convert_element_type3A : vector<2048x8xf32>
    %mul3A = arith.mulf %convert_element_type3A_9, %sub3A_11 : vector<2048x8xf32>
    %reduce_max3A_12 = arith.constant dense<0xFF800000> : vector<2048xf32>
    %reduce_max3A_13 = vector.multi_reduction <maximumf>, %mul3A, %reduce_max3A_12 [1] : vector<2048x8xf32> to vector<2048xf32>
    %broadcast_in_dim3A_14 = vector.shape_cast %reduce_max3A_13 : vector<2048xf32> to vector<2048x1xf32>
    %sub3A_15 = arith.constant 7.000000e+00 : f32
    %sub3A_16 = vector.broadcast %sub3A_15 : f32 to vector<2048x1xf32>
    %sub3A_17 = arith.subf %sub3A_16, %broadcast_in_dim3A_14 : vector<2048x1xf32>
    %eq3A_18 = vector.broadcast %sub3A_17 : vector<2048x1xf32> to vector<2048x8xf32>
    %eq3A_19 = arith.cmpf oeq, %convert_element_type3A, %eq3A_18 : vector<2048x8xf32>
    %convert_element_type3A_20 = arith.extui %eq3A_19 : vector<2048x8xi1> to vector<2048x8xi32>
    %convert_element_type3A_21 = arith.sitofp %convert_element_type3A_20 : vector<2048x8xi32> to vector<2048x8xf32>
    %iota3A_22 = tpu.iota {dimensions = array<i32: 0>} : vector<128x128xi32>
    %iota3A_23 = tpu.iota {dimensions = array<i32: 1>} : vector<128x128xi32>
    %ge3A = arith.cmpi sge, %iota3A_22, %iota3A_23 : vector<128x128xi32>
    %convert_element_type3A_24 = arith.extui %ge3A : vector<128x128xi1> to vector<128x128xi32>
    %convert_element_type3A_25 = arith.sitofp %convert_element_type3A_24 : vector<128x128xi32> to vector<128x128xf32>
    %broadcast_in_dim3A_26 = arith.constant 0.000000e+00 : f32
    %broadcast_in_dim3A_27 = vector.broadcast %broadcast_in_dim3A_26 : f32 to vector<1x8xf32>
    %slice3A = vector.extract_strided_slice %convert_element_type3A_21 {offsets = [0, 0], sizes = [128, 8], strides = [1, 1]} : vector<2048x8xf32> to vector<128x8xf32>
    %dot_general3A_28 = arith.constant dense<0.000000e+00> : vector<128x8xf32>
    %dot_general3A_29 = tpu.matmul %convert_element_type3A_25, %slice3A, %dot_general3A_28 {dimension_numbers = #tpu.dot_dimension_numbers<[1], [0], [0], [1], [0, 0, 1, 1], [], []>, transpose_lhs_hint = false} : vector<128x128xf32>, vector<128x8xf32>, vector<128x8xf32> -> vector<128x8xf32>
    %add3A = vector.broadcast %broadcast_in_dim3A_27 : vector<1x8xf32> to vector<128x8xf32>
    %add3A_30 = arith.addf %dot_general3A_29, %add3A : vector<128x8xf32>
    %slice3A_31 = vector.extract_strided_slice %dot_general3A_29 {offsets = [127, 0], sizes = [1, 8], strides = [1, 1]} : vector<128x8xf32> to vector<1x8xf32>
    %add3A_32 = arith.addf %broadcast_in_dim3A_27, %slice3A_31 : vector<1x8xf32>
    %slice3A_33 = vector.extract_strided_slice %convert_element_type3A_21 {offsets = [128, 0], sizes = [128, 8], strides = [1, 1]} : vector<2048x8xf32> to vector<128x8xf32>
    %dot_general3A_34 = arith.constant dense<0.000000e+00> : vector<128x8xf32>
    %dot_general3A_35 = tpu.matmul %convert_element_type3A_25, %slice3A_33, %dot_general3A_34 {dimension_numbers = #tpu.dot_dimension_numbers<[1], [0], [0], [1], [0, 0, 1, 1], [], []>, transpose_lhs_hint = false} : vector<128x128xf32>, vector<128x8xf32>, vector<128x8xf32> -> vector<128x8xf32>
    %add3A_36 = vector.broadcast %add3A_32 : vector<1x8xf32> to vector<128x8xf32>
    %add3A_37 = arith.addf %dot_general3A_35, %add3A_36 : vector<128x8xf32>
    %slice3A_38 = vector.extract_strided_slice %dot_general3A_35 {offsets = [127, 0], sizes = [1, 8], strides = [1, 1]} : vector<128x8xf32> to vector<1x8xf32>
    %add3A_39 = arith.addf %add3A_32, %slice3A_38 : vector<1x8xf32>
    %slice3A_40 = vector.extract_strided_slice %convert_element_type3A_21 {offsets = [256, 0], sizes = [128, 8], strides = [1, 1]} : vector<2048x8xf32> to vector<128x8xf32>
    %dot_general3A_41 = arith.constant dense<0.000000e+00> : vector<128x8xf32>
    %dot_general3A_42 = tpu.matmul %convert_element_type3A_25, %slice3A_40, %dot_general3A_41 {dimension_numbers = #tpu.dot_dimension_numbers<[1], [0], [0], [1], [0, 0, 1, 1], [], []>, transpose_lhs_hint = false} : vector<128x128xf32>, vector<128x8xf32>, vector<128x8xf32> -> vector<128x8xf32>
    %add3A_43 = vector.broadcast %add3A_39 : vector<1x8xf32> to vector<128x8xf32>
    %add3A_44 = arith.addf %dot_general3A_42, %add3A_43 : vector<128x8xf32>
    %slice3A_45 = vector.extract_strided_slice %dot_general3A_42 {offsets = [127, 0], sizes = [1, 8], strides = [1, 1]} : vector<128x8xf32> to vector<1x8xf32>
    %add3A_46 = arith.addf %add3A_39, %slice3A_45 : vector<1x8xf32>
    %slice3A_47 = vector.extract_strided_slice %convert_element_type3A_21 {offsets = [384, 0], sizes = [128, 8], strides = [1, 1]} : vector<2048x8xf32> to vector<128x8xf32>
    %dot_general3A_48 = arith.constant dense<0.000000e+00> : vector<128x8xf32>
    %dot_general3A_49 = tpu.matmul %convert_element_type3A_25, %slice3A_47, %dot_general3A_48 {dimension_numbers = #tpu.dot_dimension_numbers<[1], [0], [0], [1], [0, 0, 1, 1], [], []>, transpose_lhs_hint = false} : vector<128x128xf32>, vector<128x8xf32>, vector<128x8xf32> -> vector<128x8xf32>
    %add3A_50 = vector.broadcast %add3A_46 : vector<1x8xf32> to vector<128x8xf32>
    %add3A_51 = arith.addf %dot_general3A_49, %add3A_50 : vector<128x8xf32>
    %slice3A_52 = vector.extract_strided_slice %dot_general3A_49 {offsets = [127, 0], sizes = [1, 8], strides = [1, 1]} : vector<128x8xf32> to vector<1x8xf32>
    %add3A_53 = arith.addf %add3A_46, %slice3A_52 : vector<1x8xf32>
    %slice3A_54 = vector.extract_strided_slice %convert_element_type3A_21 {offsets = [512, 0], sizes = [128, 8], strides = [1, 1]} : vector<2048x8xf32> to vector<128x8xf32>
    %dot_general3A_55 = arith.constant dense<0.000000e+00> : vector<128x8xf32>
    %dot_general3A_56 = tpu.matmul %convert_element_type3A_25, %slice3A_54, %dot_general3A_55 {dimension_numbers = #tpu.dot_dimension_numbers<[1], [0], [0], [1], [0, 0, 1, 1], [], []>, transpose_lhs_hint = false} : vector<128x128xf32>, vector<128x8xf32>, vector<128x8xf32> -> vector<128x8xf32>
    %add3A_57 = vector.broadcast %add3A_53 : vector<1x8xf32> to vector<128x8xf32>
    %add3A_58 = arith.addf %dot_general3A_56, %add3A_57 : vector<128x8xf32>
    %slice3A_59 = vector.extract_strided_slice %dot_general3A_56 {offsets = [127, 0], sizes = [1, 8], strides = [1, 1]} : vector<128x8xf32> to vector<1x8xf32>
    %add3A_60 = arith.addf %add3A_53, %slice3A_59 : vector<1x8xf32>
    %slice3A_61 = vector.extract_strided_slice %convert_element_type3A_21 {offsets = [640, 0], sizes = [128, 8], strides = [1, 1]} : vector<2048x8xf32> to vector<128x8xf32>
    %dot_general3A_62 = arith.constant dense<0.000000e+00> : vector<128x8xf32>
    %dot_general3A_63 = tpu.matmul %convert_element_type3A_25, %slice3A_61, %dot_general3A_62 {dimension_numbers = #tpu.dot_dimension_numbers<[1], [0], [0], [1], [0, 0, 1, 1], [], []>, transpose_lhs_hint = false} : vector<128x128xf32>, vector<128x8xf32>, vector<128x8xf32> -> vector<128x8xf32>
    %add3A_64 = vector.broadcast %add3A_60 : vector<1x8xf32> to vector<128x8xf32>
    %add3A_65 = arith.addf %dot_general3A_63, %add3A_64 : vector<128x8xf32>
    %slice3A_66 = vector.extract_strided_slice %dot_general3A_63 {offsets = [127, 0], sizes = [1, 8], strides = [1, 1]} : vector<128x8xf32> to vector<1x8xf32>
    %add3A_67 = arith.addf %add3A_60, %slice3A_66 : vector<1x8xf32>
    %slice3A_68 = vector.extract_strided_slice %convert_element_type3A_21 {offsets = [768, 0], sizes = [128, 8], strides = [1, 1]} : vector<2048x8xf32> to vector<128x8xf32>
    %dot_general3A_69 = arith.constant dense<0.000000e+00> : vector<128x8xf32>
    %dot_general3A_70 = tpu.matmul %convert_element_type3A_25, %slice3A_68, %dot_general3A_69 {dimension_numbers = #tpu.dot_dimension_numbers<[1], [0], [0], [1], [0, 0, 1, 1], [], []>, transpose_lhs_hint = false} : vector<128x128xf32>, vector<128x8xf32>, vector<128x8xf32> -> vector<128x8xf32>
    %add3A_71 = vector.broadcast %add3A_67 : vector<1x8xf32> to vector<128x8xf32>
    %add3A_72 = arith.addf %dot_general3A_70, %add3A_71 : vector<128x8xf32>
    %slice3A_73 = vector.extract_strided_slice %dot_general3A_70 {offsets = [127, 0], sizes = [1, 8], strides = [1, 1]} : vector<128x8xf32> to vector<1x8xf32>
    %add3A_74 = arith.addf %add3A_67, %slice3A_73 : vector<1x8xf32>
    %slice3A_75 = vector.extract_strided_slice %convert_element_type3A_21 {offsets = [896, 0], sizes = [128, 8], strides = [1, 1]} : vector<2048x8xf32> to vector<128x8xf32>
    %dot_general3A_76 = arith.constant dense<0.000000e+00> : vector<128x8xf32>
    %dot_general3A_77 = tpu.matmul %convert_element_type3A_25, %slice3A_75, %dot_general3A_76 {dimension_numbers = #tpu.dot_dimension_numbers<[1], [0], [0], [1], [0, 0, 1, 1], [], []>, transpose_lhs_hint = false} : vector<128x128xf32>, vector<128x8xf32>, vector<128x8xf32> -> vector<128x8xf32>
    %add3A_78 = vector.broadcast %add3A_74 : vector<1x8xf32> to vector<128x8xf32>
    %add3A_79 = arith.addf %dot_general3A_77, %add3A_78 : vector<128x8xf32>
    %slice3A_80 = vector.extract_strided_slice %dot_general3A_77 {offsets = [127, 0], sizes = [1, 8], strides = [1, 1]} : vector<128x8xf32> to vector<1x8xf32>
    %add3A_81 = arith.addf %add3A_74, %slice3A_80 : vector<1x8xf32>
    %slice3A_82 = vector.extract_strided_slice %convert_element_type3A_21 {offsets = [1024, 0], sizes = [128, 8], strides = [1, 1]} : vector<2048x8xf32> to vector<128x8xf32>
    %dot_general3A_83 = arith.constant dense<0.000000e+00> : vector<128x8xf32>
    %dot_general3A_84 = tpu.matmul %convert_element_type3A_25, %slice3A_82, %dot_general3A_83 {dimension_numbers = #tpu.dot_dimension_numbers<[1], [0], [0], [1], [0, 0, 1, 1], [], []>, transpose_lhs_hint = false} : vector<128x128xf32>, vector<128x8xf32>, vector<128x8xf32> -> vector<128x8xf32>
    %add3A_85 = vector.broadcast %add3A_81 : vector<1x8xf32> to vector<128x8xf32>
    %add3A_86 = arith.addf %dot_general3A_84, %add3A_85 : vector<128x8xf32>
    %slice3A_87 = vector.extract_strided_slice %dot_general3A_84 {offsets = [127, 0], sizes = [1, 8], strides = [1, 1]} : vector<128x8xf32> to vector<1x8xf32>
    %add3A_88 = arith.addf %add3A_81, %slice3A_87 : vector<1x8xf32>
    %slice3A_89 = vector.extract_strided_slice %convert_element_type3A_21 {offsets = [1152, 0], sizes = [128, 8], strides = [1, 1]} : vector<2048x8xf32> to vector<128x8xf32>
    %dot_general3A_90 = arith.constant dense<0.000000e+00> : vector<128x8xf32>
    %dot_general3A_91 = tpu.matmul %convert_element_type3A_25, %slice3A_89, %dot_general3A_90 {dimension_numbers = #tpu.dot_dimension_numbers<[1], [0], [0], [1], [0, 0, 1, 1], [], []>, transpose_lhs_hint = false} : vector<128x128xf32>, vector<128x8xf32>, vector<128x8xf32> -> vector<128x8xf32>
    %add3A_92 = vector.broadcast %add3A_88 : vector<1x8xf32> to vector<128x8xf32>
    %add3A_93 = arith.addf %dot_general3A_91, %add3A_92 : vector<128x8xf32>
    %slice3A_94 = vector.extract_strided_slice %dot_general3A_91 {offsets = [127, 0], sizes = [1, 8], strides = [1, 1]} : vector<128x8xf32> to vector<1x8xf32>
    %add3A_95 = arith.addf %add3A_88, %slice3A_94 : vector<1x8xf32>
    %slice3A_96 = vector.extract_strided_slice %convert_element_type3A_21 {offsets = [1280, 0], sizes = [128, 8], strides = [1, 1]} : vector<2048x8xf32> to vector<128x8xf32>
    %dot_general3A_97 = arith.constant dense<0.000000e+00> : vector<128x8xf32>
    %dot_general3A_98 = tpu.matmul %convert_element_type3A_25, %slice3A_96, %dot_general3A_97 {dimension_numbers = #tpu.dot_dimension_numbers<[1], [0], [0], [1], [0, 0, 1, 1], [], []>, transpose_lhs_hint = false} : vector<128x128xf32>, vector<128x8xf32>, vector<128x8xf32> -> vector<128x8xf32>
    %add3A_99 = vector.broadcast %add3A_95 : vector<1x8xf32> to vector<128x8xf32>
    %add3A_100 = arith.addf %dot_general3A_98, %add3A_99 : vector<128x8xf32>
    %slice3A_101 = vector.extract_strided_slice %dot_general3A_98 {offsets = [127, 0], sizes = [1, 8], strides = [1, 1]} : vector<128x8xf32> to vector<1x8xf32>
    %add3A_102 = arith.addf %add3A_95, %slice3A_101 : vector<1x8xf32>
    %slice3A_103 = vector.extract_strided_slice %convert_element_type3A_21 {offsets = [1408, 0], sizes = [128, 8], strides = [1, 1]} : vector<2048x8xf32> to vector<128x8xf32>
    %dot_general3A_104 = arith.constant dense<0.000000e+00> : vector<128x8xf32>
    %dot_general3A_105 = tpu.matmul %convert_element_type3A_25, %slice3A_103, %dot_general3A_104 {dimension_numbers = #tpu.dot_dimension_numbers<[1], [0], [0], [1], [0, 0, 1, 1], [], []>, transpose_lhs_hint = false} : vector<128x128xf32>, vector<128x8xf32>, vector<128x8xf32> -> vector<128x8xf32>
    %add3A_106 = vector.broadcast %add3A_102 : vector<1x8xf32> to vector<128x8xf32>
    %add3A_107 = arith.addf %dot_general3A_105, %add3A_106 : vector<128x8xf32>
    %slice3A_108 = vector.extract_strided_slice %dot_general3A_105 {offsets = [127, 0], sizes = [1, 8], strides = [1, 1]} : vector<128x8xf32> to vector<1x8xf32>
    %add3A_109 = arith.addf %add3A_102, %slice3A_108 : vector<1x8xf32>
    %slice3A_110 = vector.extract_strided_slice %convert_element_type3A_21 {offsets = [1536, 0], sizes = [128, 8], strides = [1, 1]} : vector<2048x8xf32> to vector<128x8xf32>
    %dot_general3A_111 = arith.constant dense<0.000000e+00> : vector<128x8xf32>
    %dot_general3A_112 = tpu.matmul %convert_element_type3A_25, %slice3A_110, %dot_general3A_111 {dimension_numbers = #tpu.dot_dimension_numbers<[1], [0], [0], [1], [0, 0, 1, 1], [], []>, transpose_lhs_hint = false} : vector<128x128xf32>, vector<128x8xf32>, vector<128x8xf32> -> vector<128x8xf32>
    %add3A_113 = vector.broadcast %add3A_109 : vector<1x8xf32> to vector<128x8xf32>
    %add3A_114 = arith.addf %dot_general3A_112, %add3A_113 : vector<128x8xf32>
    %slice3A_115 = vector.extract_strided_slice %dot_general3A_112 {offsets = [127, 0], sizes = [1, 8], strides = [1, 1]} : vector<128x8xf32> to vector<1x8xf32>
    %add3A_116 = arith.addf %add3A_109, %slice3A_115 : vector<1x8xf32>
    %slice3A_117 = vector.extract_strided_slice %convert_element_type3A_21 {offsets = [1664, 0], sizes = [128, 8], strides = [1, 1]} : vector<2048x8xf32> to vector<128x8xf32>
    %dot_general3A_118 = arith.constant dense<0.000000e+00> : vector<128x8xf32>
    %dot_general3A_119 = tpu.matmul %convert_element_type3A_25, %slice3A_117, %dot_general3A_118 {dimension_numbers = #tpu.dot_dimension_numbers<[1], [0], [0], [1], [0, 0, 1, 1], [], []>, transpose_lhs_hint = false} : vector<128x128xf32>, vector<128x8xf32>, vector<128x8xf32> -> vector<128x8xf32>
    %add3A_120 = vector.broadcast %add3A_116 : vector<1x8xf32> to vector<128x8xf32>
    %add3A_121 = arith.addf %dot_general3A_119, %add3A_120 : vector<128x8xf32>
    %slice3A_122 = vector.extract_strided_slice %dot_general3A_119 {offsets = [127, 0], sizes = [1, 8], strides = [1, 1]} : vector<128x8xf32> to vector<1x8xf32>
    %add3A_123 = arith.addf %add3A_116, %slice3A_122 : vector<1x8xf32>
    %slice3A_124 = vector.extract_strided_slice %convert_element_type3A_21 {offsets = [1792, 0], sizes = [128, 8], strides = [1, 1]} : vector<2048x8xf32> to vector<128x8xf32>
    %dot_general3A_125 = arith.constant dense<0.000000e+00> : vector<128x8xf32>
    %dot_general3A_126 = tpu.matmul %convert_element_type3A_25, %slice3A_124, %dot_general3A_125 {dimension_numbers = #tpu.dot_dimension_numbers<[1], [0], [0], [1], [0, 0, 1, 1], [], []>, transpose_lhs_hint = false} : vector<128x128xf32>, vector<128x8xf32>, vector<128x8xf32> -> vector<128x8xf32>
    %add3A_127 = vector.broadcast %add3A_123 : vector<1x8xf32> to vector<128x8xf32>
    %add3A_128 = arith.addf %dot_general3A_126, %add3A_127 : vector<128x8xf32>
    %slice3A_129 = vector.extract_strided_slice %dot_general3A_126 {offsets = [127, 0], sizes = [1, 8], strides = [1, 1]} : vector<128x8xf32> to vector<1x8xf32>
    %add3A_130 = arith.addf %add3A_123, %slice3A_129 : vector<1x8xf32>
    %slice3A_131 = vector.extract_strided_slice %convert_element_type3A_21 {offsets = [1920, 0], sizes = [128, 8], strides = [1, 1]} : vector<2048x8xf32> to vector<128x8xf32>
    %dot_general3A_132 = arith.constant dense<0.000000e+00> : vector<128x8xf32>
    %dot_general3A_133 = tpu.matmul %convert_element_type3A_25, %slice3A_131, %dot_general3A_132 {dimension_numbers = #tpu.dot_dimension_numbers<[1], [0], [0], [1], [0, 0, 1, 1], [], []>, transpose_lhs_hint = false} : vector<128x128xf32>, vector<128x8xf32>, vector<128x8xf32> -> vector<128x8xf32>
    %add3A_134 = vector.broadcast %add3A_130 : vector<1x8xf32> to vector<128x8xf32>
    %add3A_135 = arith.addf %dot_general3A_133, %add3A_134 : vector<128x8xf32>
    %slice3A_136 = vector.extract_strided_slice %dot_general3A_133 {offsets = [127, 0], sizes = [1, 8], strides = [1, 1]} : vector<128x8xf32> to vector<1x8xf32>
    %add3A_137 = arith.addf %add3A_130, %slice3A_136 : vector<1x8xf32>
    %concatenate3A = tpu.concatenate %add3A_30, %add3A_37, %add3A_44, %add3A_51, %add3A_58, %add3A_65, %add3A_72, %add3A_79, %add3A_86, %add3A_93, %add3A_100, %add3A_107, %add3A_114, %add3A_121, %add3A_128, %add3A_135 in 0 : vector<128x8xf32>, vector<128x8xf32>, vector<128x8xf32>, vector<128x8xf32>, vector<128x8xf32>, vector<128x8xf32>, vector<128x8xf32>, vector<128x8xf32>, vector<128x8xf32>, vector<128x8xf32>, vector<128x8xf32>, vector<128x8xf32>, vector<128x8xf32>, vector<128x8xf32>, vector<128x8xf32>, vector<128x8xf32> -> vector<2048x8xf32>
    %mul3A_138 = arith.constant 7.812500e-03 : f32
    %mul3A_139 = vector.broadcast %mul3A_138 : f32 to vector<1x8xf32>
    %mul3A_140 = arith.mulf %add3A_137, %mul3A_139 : vector<1x8xf32>
    %ceil3A = math.ceil %mul3A_140 : vector<1x8xf32>
    %mul3A_141 = arith.constant 1.280000e+02 : f32
    %mul3A_142 = vector.broadcast %mul3A_141 : f32 to vector<1x8xf32>
    %mul3A_143 = arith.mulf %ceil3A, %mul3A_142 : vector<1x8xf32>
    %iota3A_144 = tpu.iota {dimensions = array<i32: 0>} : vector<8x8xi32>
    %iota3A_145 = tpu.iota {dimensions = array<i32: 1>} : vector<8x8xi32>
    %lt3A = arith.cmpi slt, %iota3A_144, %iota3A_145 : vector<8x8xi32>
    %convert_element_type3A_146 = arith.extui %lt3A : vector<8x8xi1> to vector<8x8xi32>
    %convert_element_type3A_147 = arith.sitofp %convert_element_type3A_146 : vector<8x8xi32> to vector<8x8xf32>
    %dot_general3A_148 = arith.constant dense<0.000000e+00> : vector<1x8xf32>
    %dot_general3A_149 = tpu.matmul %mul3A_143, %convert_element_type3A_147, %dot_general3A_148 {dimension_numbers = #tpu.dot_dimension_numbers<[1], [0], [0], [1], [0, 0, 1, 1], [], []>, transpose_lhs_hint = false} : vector<1x8xf32>, vector<8x8xf32>, vector<1x8xf32> -> vector<1x8xf32>
    %add3A_150 = vector.broadcast %dot_general3A_149 : vector<1x8xf32> to vector<2048x8xf32>
    %add3A_151 = arith.addf %add3A_150, %concatenate3A : vector<2048x8xf32>
    %sub3A_152 = arith.constant 1.000000e+00 : f32
    %sub3A_153 = vector.broadcast %sub3A_152 : f32 to vector<2048x8xf32>
    %sub3A_154 = arith.subf %add3A_151, %sub3A_153 : vector<2048x8xf32>
    %mul3A_155 = arith.mulf %sub3A_154, %convert_element_type3A_21 : vector<2048x8xf32>
    %reduce_sum3A = arith.constant dense<0.000000e+00> : vector<2048xf32>
    %reduce_sum3A_156 = vector.multi_reduction <add>, %mul3A_155, %reduce_sum3A [1] : vector<2048x8xf32> to vector<2048xf32>
    %convert_element_type3A_157 = arith.fptosi %reduce_sum3A_156 : vector<2048xf32> to vector<2048xi32>
    %swap3A = arith.constant 0 : index
    %swap3A_158 = vector.load %arg2[%swap3A] : memref<2048xi32, #tpu.memory_space<vmem>>, vector<2048xi32>
    tpu.vector_store %arg2[%swap3A], %convert_element_type3A_157 {strides = array<i32>} : memref<2048xi32, #tpu.memory_space<vmem>>, vector<2048xi32>,
    %mul3A_159 = arith.constant 7.812500e-03 : f32
    %mul3A_160 = vector.broadcast %mul3A_159 : f32 to vector<1x8xf32>
    %mul3A_161 = arith.mulf %dot_general3A_149, %mul3A_160 : vector<1x8xf32>
    %iota3A_162 = tpu.iota {dimensions = array<i32: 0>} : vector<24x8xi32>
    %convert_element_type3A_163 = arith.sitofp %iota3A_162 : vector<24x8xi32> to vector<24x8xf32>
    %ge3A_164 = vector.broadcast %mul3A_161 : vector<1x8xf32> to vector<24x8xf32>
    %ge3A_165 = arith.cmpf oge, %convert_element_type3A_163, %ge3A_164 : vector<24x8xf32>
    %convert_element_type3A_166 = arith.extui %ge3A_165 : vector<24x8xi1> to vector<24x8xi32>
    %convert_element_type3A_167 = arith.sitofp %convert_element_type3A_166 : vector<24x8xi32> to vector<24x8xf32>
    %reduce_sum3A_168 = arith.constant dense<0.000000e+00> : vector<24xf32>
    %reduce_sum3A_169 = vector.multi_reduction <add>, %convert_element_type3A_167, %reduce_sum3A_168 [1] : vector<24x8xf32> to vector<24xf32>
    %sub3A_170 = arith.constant 1.000000e+00 : f32
    %sub3A_171 = vector.broadcast %sub3A_170 : f32 to vector<24xf32>
    %sub3A_172 = arith.subf %reduce_sum3A_169, %sub3A_171 : vector<24xf32>
    %jit3A = arith.constant 0.000000e+00 : f32
    %jit3A_173 = arith.constant 7.000000e+00 : f32
    %max3A = vector.broadcast %jit3A : f32 to vector<24xf32>
    %max3A_174 = arith.maximumf %max3A, %sub3A_172 : vector<24xf32>
    %min3A = vector.broadcast %jit3A_173 : f32 to vector<24xf32>
    %min3A_175 = arith.minimumf %min3A, %max3A_174 : vector<24xf32>
    %convert_element_type3A_176 = arith.fptosi %min3A_175 : vector<24xf32> to vector<24xi32>
    %swap3A_177 = arith.constant 0 : index
    %swap3A_178 = vector.load %arg3[%swap3A_177] : memref<24xi32, #tpu.memory_space<vmem>>, vector<24xi32>
    tpu.vector_store %arg3[%swap3A_177], %convert_element_type3A_176 {strides = array<i32>} : memref<24xi32, #tpu.memory_space<vmem>>, vector<24xi32>,
    return
  }
}

module attributes {stable_mosaic.version = 14 : i64} {
  func.func @body(%arg0: i32, %arg1: memref<24xi32, #tpu.memory_space<smem>>, %arg2: memref<128x768xf32, #tpu.memory_space<vmem>>, %arg3: memref<1x768x256xf32, #tpu.memory_space<vmem>>, %arg4: memref<1x768x256xf32, #tpu.memory_space<vmem>>, %arg5: memref<1x256x768xf32, #tpu.memory_space<vmem>>, %arg6: memref<128x768xf32, #tpu.memory_space<vmem>>) attributes {dimension_semantics = [#tpu.dimension_semantics<arbitrary>], iteration_bounds = array<i64: 24>, scalar_prefetch = 1 : i64, scratch_operands = 0 : i64, tpu.core_type = #tpu.core_type<tc>, window_params = [{transform_indices = @transform_0, window_bounds = array<i64: 128, 768>}, {transform_indices = @transform_1, window_bounds = array<i64: 1, 768, 256>}, {transform_indices = @transform_2, window_bounds = array<i64: 1, 768, 256>}, {transform_indices = @transform_3, window_bounds = array<i64: 1, 256, 768>}, {transform_indices = @transform_4, window_bounds = array<i64: 128, 768>}]} {
    %get3A = arith.constant 0 : index
    %get3A_0 = arith.constant 0 : index
    %get3A_1 = vector.load %arg2[%get3A, %get3A_0] : memref<128x768xf32, #tpu.memory_space<vmem>>, vector<128x768xf32>
    %get3A_2 = arith.constant 0 : index
    %get3A_3 = arith.constant 0 : index
    %get3A_4 = arith.constant 0 : index
    %get3A_5 = vector.load %arg3[%get3A_2, %get3A_3, %get3A_4] : memref<1x768x256xf32, #tpu.memory_space<vmem>>, vector<1x768x256xf32>
    %get3A_6 = vector.shape_cast %get3A_5 : vector<1x768x256xf32> to vector<768x256xf32>
    %dot_general3A = arith.constant dense<0.000000e+00> : vector<128x256xf32>
    %dot_general3A_7 = tpu.matmul %get3A_1, %get3A_6, %dot_general3A {dimension_numbers = #tpu.dot_dimension_numbers<[1], [0], [0], [1], [0, 0, 1, 1], [], []>, transpose_lhs_hint = false} : vector<128x768xf32>, vector<768x256xf32>, vector<128x256xf32> -> vector<128x256xf32>
    %get3A_8 = arith.constant 0 : index
    %get3A_9 = arith.constant 0 : index
    %get3A_10 = arith.constant 0 : index
    %get3A_11 = vector.load %arg4[%get3A_8, %get3A_9, %get3A_10] : memref<1x768x256xf32, #tpu.memory_space<vmem>>, vector<1x768x256xf32>
    %get3A_12 = vector.shape_cast %get3A_11 : vector<1x768x256xf32> to vector<768x256xf32>
    %dot_general3A_13 = arith.constant dense<0.000000e+00> : vector<128x256xf32>
    %dot_general3A_14 = tpu.matmul %get3A_1, %get3A_12, %dot_general3A_13 {dimension_numbers = #tpu.dot_dimension_numbers<[1], [0], [0], [1], [0, 0, 1, 1], [], []>, transpose_lhs_hint = false} : vector<128x768xf32>, vector<768x256xf32>, vector<128x256xf32> -> vector<128x256xf32>
    %logistic3A = arith.negf %dot_general3A_7 : vector<128x256xf32>
    %logistic3A_15 = math.exp %logistic3A : vector<128x256xf32>
    %logistic3A_16 = arith.constant 1.000000e+00 : f32
    %logistic3A_17 = vector.broadcast %logistic3A_16 : f32 to vector<128x256xf32>
    %logistic3A_18 = arith.addf %logistic3A_17, %logistic3A_15 : vector<128x256xf32>
    %logistic3A_19 = arith.divf %logistic3A_17, %logistic3A_18 : vector<128x256xf32>
    %mul3A = arith.mulf %dot_general3A_7, %logistic3A_19 : vector<128x256xf32>
    %mul3A_20 = arith.mulf %mul3A, %dot_general3A_14 : vector<128x256xf32>
    %get3A_21 = arith.constant 0 : index
    %get3A_22 = arith.constant 0 : index
    %get3A_23 = arith.constant 0 : index
    %get3A_24 = vector.load %arg5[%get3A_21, %get3A_22, %get3A_23] : memref<1x256x768xf32, #tpu.memory_space<vmem>>, vector<1x256x768xf32>
    %get3A_25 = vector.shape_cast %get3A_24 : vector<1x256x768xf32> to vector<256x768xf32>
    %dot_general3A_26 = arith.constant dense<0.000000e+00> : vector<128x768xf32>
    %dot_general3A_27 = tpu.matmul %mul3A_20, %get3A_25, %dot_general3A_26 {dimension_numbers = #tpu.dot_dimension_numbers<[1], [0], [0], [1], [0, 0, 1, 1], [], []>, transpose_lhs_hint = false} : vector<128x256xf32>, vector<256x768xf32>, vector<128x768xf32> -> vector<128x768xf32>
    %swap3A = arith.constant 0 : index
    %swap3A_28 = arith.constant 0 : index
    %swap3A_29 = vector.load %arg6[%swap3A, %swap3A_28] : memref<128x768xf32, #tpu.memory_space<vmem>>, vector<128x768xf32>
    tpu.vector_store %arg6[%swap3A, %swap3A_28], %dot_general3A_27 {strides = array<i32>} : memref<128x768xf32, #tpu.memory_space<vmem>>, vector<128x768xf32>,
    return
  }
  func.func @transform_0(%arg0: i32, %arg1: memref<24xi32, #tpu.memory_space<smem>>) -> (i32, i32) {
    %c0_i32 = arith.constant 0 : i32
    %c0_i32_0 = arith.constant 0 : i32
    return %arg0, %c0_i32 : i32, i32
  }
  func.func @transform_1(%arg0: i32, %arg1: memref<24xi32, #tpu.memory_space<smem>>) -> (i32, i32, i32) {
    %get3A = arith.index_cast %arg0 : i32 to index
    %get3A_0 = memref.load %arg1[%get3A] : memref<24xi32, #tpu.memory_space<smem>>
    %c0_i32 = arith.constant 0 : i32
    %c0_i32_1 = arith.constant 0 : i32
    %c0_i32_2 = arith.constant 0 : i32
    return %get3A_0, %c0_i32, %c0_i32_1 : i32, i32, i32
  }
  func.func @transform_2(%arg0: i32, %arg1: memref<24xi32, #tpu.memory_space<smem>>) -> (i32, i32, i32) {
    %get3A = arith.index_cast %arg0 : i32 to index
    %get3A_0 = memref.load %arg1[%get3A] : memref<24xi32, #tpu.memory_space<smem>>
    %c0_i32 = arith.constant 0 : i32
    %c0_i32_1 = arith.constant 0 : i32
    %c0_i32_2 = arith.constant 0 : i32
    return %get3A_0, %c0_i32, %c0_i32_1 : i32, i32, i32
  }
  func.func @transform_3(%arg0: i32, %arg1: memref<24xi32, #tpu.memory_space<smem>>) -> (i32, i32, i32) {
    %get3A = arith.index_cast %arg0 : i32 to index
    %get3A_0 = memref.load %arg1[%get3A] : memref<24xi32, #tpu.memory_space<smem>>
    %c0_i32 = arith.constant 0 : i32
    %c0_i32_1 = arith.constant 0 : i32
    %c0_i32_2 = arith.constant 0 : i32
    return %get3A_0, %c0_i32, %c0_i32_1 : i32, i32, i32
  }
  func.func @transform_4(%arg0: i32, %arg1: memref<24xi32, #tpu.memory_space<smem>>) -> (i32, i32) {
    %c0_i32 = arith.constant 0 : i32
    %c0_i32_0 = arith.constant 0 : i32
    return %arg0, %c0_i32 : i32, i32
  }
}

</mosaic_0001>

<sc_bundles>
// kernel: kernel.6.cloned.1.call-start
scs
__scs_entry_jumppad:
0x0: {  	(pc) =	sbr.rel $0x88, $3  }
0x1: {  	(tag) =	ssettag $0x0;
	lr =	simm.s32 $0x1  }
0x2: {  	[smem:$0x3F9C] =	sst lr;
	_ =	strace $0xD0000000  }
0x3: {  	_ = 	snop  }
0x4: {  	_ = 	snop  }
0x5: {  	_ = 	snop  }
0x6: {  	_ = 	snop  }
0x7: {  	_ = 	snop  }
__scs_overlays_trampoline_lowered:
0x8: {  	[smem:$0x3FAB] =	sst s0  }
0x9: {  	[smem:$0x3FAC] =	sst s1  }
0xa: {  	[smem:$0x3FAD] =	sst s2  }
0xb: {  	[smem:$0x3FAE] =	sst s3  }
0xc: {  	[smem:$0x3FAF] =	sst s4  }
0xd: {  	[smem:$0x3FB0] =	sst s5  }
0xe: {  	[smem:$0x3FB1] =	sst s6  }
0xf: {  	[smem:$0x3FB2] =	sst s7  }
0x10: {  	[smem:$0x3FB3] =	sst s8  }
0x11: {  	[smem:$0x3FB4] =	sst s9;
	s0 =	simm.s32 @!p0 $0x0  }
0x12: {  	s1 =	sld [smem:$0x3F9A];
	s0 =	simm.s32 @p0 $0x1  }
0x13: {  	[smem:$0x3FB5] =	sst s0;
	s0 =	simm.s32 @!p1 $0x0  }
0x14: {  	s2 =	sld [smem:$0x3F99];
	s0 =	simm.s32 @p1 $0x1  }
0x15: {  	[smem:$0x3FB6] =	sst s0;
	s0 =	simm.s32 @!p2 $0x0  }
0x16: {  	s3 =	sld [smem:$0x3FDB];
	s0 =	simm.s32 @p2 $0x1  }
0x17: {  	s4 =	simm.s32 $0x1BF5;
	[smem:$0x3FB8] =	sst s0  }
0x18: {  	s0 =	sld [smem:$0x3F9B];
	_ =	swait.ge [sflag:s4], $0x0  }
0x19: {  	s7 =	sld [smem:$0x3F9C]  }
0x1a: {  	s8 =	sadd.s32 $0xFFFFE003, lr  }
0x1b: {  	s9 =	sadd.s32 $0xFFFFFEF7, lr;
	s5 =	simm.s32 $0xFFFFFFFF;
	p2 =	slt.u32 s8, $0xFFFFF086  }
0x1c: {  	p1 =	slt.u32 s9, $0xF7A;
	s5 =	simm.s32 @!p2 $0x0  }
0x1d: {  	s5 =	simm.s32 @p1 $0x1;
	p0 =	seq.s32 s7, s2  }
0x1e: {  	s7 =	smul.u32 @!p0 $0xF7A, s2;
	p2 =	seq.s32 @!p0 s5, $0x0  }
0x1f: {  	s9 =	smul.u32 $0xF7A, s1;
	s8 =	simm.s32 @!p0 $0x1BF5;
	p2 =	por !p2, p0  }
0x20: {  	[sflag:s8] =	ssyncset.s32 @!p0 $0xFFFFF086;
	s6 =	sadd.s32 @!p0 s3, s7;
	s7 =	simm.s32 @!p0 $0x108  }
0x21: {  	s3 =	sadd.s32 s3, s9;
	s6 =	sadd.s32 @!p0 $0x88, s6;
	s7 =	simm.s32 @p2 $0x1082  }
0x22: {  	[simem:s7], [sflag:s8] =	dma.local @!p0 [hbm:s6], $0xF7A  }
0x23: {  	s9 =	sor.u32 $0xD0000000, s2;
	s6 =	simm.s32 $0x108;
	_ =	swait.ge @!p0 [sflag:s8], $0x0  }
0x24: {  	s3 =	sadd.s32 $0x88, s3;
	s6 =	simm.s32 @!p1 $0x1082;
	[sflag:s4] =	ssyncset.s32 $0xFFFFF086  }
0x25: {  	[simem:s6], [sflag:s4] =	dma.local [hbm:s3], $0xF7A  }
0x26: {  	[smem:$0x3F9C] =	sst s1;
	(tag) =	ssettag s2;
	_ =	strace s9  }
0x27: {  	s1 =	sld [smem:$0x3FAC]  }
0x28: {  	s2 =	sld [smem:$0x3FAD]  }
0x29: {  	s4 =	sld [smem:$0x3FAF]  }
0x2a: {  	p0 =	seq.s32 s5, $0x0;
	s5 =	sld [smem:$0x3FB0]  }
0x2b: {  	s6 =	sld [smem:$0x3FB1]  }
0x2c: {  	s7 =	sld [smem:$0x3FB2]  }
0x2d: {  	s3 =	simm.s32 $0x108;
	s8 =	sld [smem:$0x3FB3]  }
0x2e: {  	s3 =	simm.s32 @!p0 $0x1082;
	s9 =	sld [smem:$0x3FB4]  }
0x2f: {  	lr =	sadd.s32 s0, s3;
	s0 =	sld [smem:$0x3FAB]  }
0x30: {  	s3 =	sld [smem:$0x3FAE]  }
0x31: {  	[smem:$0x3FB7] =	sst s10  }
0x32: {  	s10 =	sld [smem:$0x3FB5];
	_ =	sdelay $0x3  }
0x33: {  	p0 =	seq.s32 s10, $0x1;
	s10 =	sld [smem:$0x3FB7];
	_ =	sdelay $0x3  }
0x34: {  	[smem:$0x3FB7] =	sst s10  }
0x35: {  	s10 =	sld [smem:$0x3FB6];
	_ =	sdelay $0x3  }
0x36: {  	p1 =	seq.s32 s10, $0x1;
	s10 =	sld [smem:$0x3FB7];
	_ =	sdelay $0x3  }
0x37: {  	[smem:$0x3FB7] =	sst s10  }
0x38: {  	s10 =	sld [smem:$0x3FB8]  }
0x39: {  	_ = 	snop;
	(pc) =	sbr.ind lr, $3  }
0x3a: {  	_ = 	snop  }
0x3b: {  	_ = 	snop  }
0x3c: {  	p2 =	seq.s32 s10, $0x1;
	s10 =	sld [smem:$0x3FB7]  }
0x3d: {  	_ =	shalt  }
0x3e: {  	_ =	shalt  }
0x3f: {  	_ =	shalt  }
0x40: {  	_ =	shalt  }
0x41: {  	_ =	shalt  }
0x42: {  	_ =	shalt  }
0x43: {  	_ =	shalt  }
0x44: {  	_ =	shalt  }
0x45: {  	_ =	shalt  }
0x46: {  	_ =	shalt  }
0x47: {  	_ =	shalt  }
0x48: {  	_ =	shalt  }
0x49: {  	_ =	shalt  }
0x4a: {  	_ =	shalt  }
0x4b: {  	_ =	shalt  }
0x4c: {  	_ =	shalt  }
0x4d: {  	_ =	shalt  }
0x4e: {  	_ =	shalt  }
0x4f: {  	_ =	shalt  }
0x50: {  	_ =	shalt  }
0x51: {  	_ =	shalt  }
0x52: {  	_ =	shalt  }
0x53: {  	_ =	shalt  }
0x54: {  	_ =	shalt  }
0x55: {  	_ =	shalt  }
0x56: {  	_ =	shalt  }
0x57: {  	_ =	shalt  }
0x58: {  	_ =	shalt  }
0x59: {  	_ =	shalt  }
0x5a: {  	_ =	shalt  }
0x5b: {  	_ =	shalt  }
0x5c: {  	_ =	shalt  }
0x5d: {  	_ =	shalt  }
0x5e: {  	_ =	shalt  }
0x5f: {  	_ =	shalt  }
0x60: {  	_ =	shalt  }
0x61: {  	_ =	shalt  }
0x62: {  	_ =	shalt  }
0x63: {  	_ =	shalt  }
0x64: {  	_ =	shalt  }
0x65: {  	_ =	shalt  }
0x66: {  	_ =	shalt  }
0x67: {  	_ =	shalt  }
0x68: {  	_ =	shalt  }
0x69: {  	_ =	shalt  }
0x6a: {  	_ =	shalt  }
0x6b: {  	_ =	shalt  }
0x6c: {  	_ =	shalt  }
0x6d: {  	_ =	shalt  }
0x6e: {  	_ =	shalt  }
0x6f: {  	_ =	shalt  }
0x70: {  	_ =	shalt  }
0x71: {  	_ =	shalt  }
0x72: {  	_ =	shalt  }
0x73: {  	_ =	shalt  }
0x74: {  	_ =	shalt  }
0x75: {  	_ =	shalt  }
0x76: {  	_ =	shalt  }
0x77: {  	_ =	shalt  }
0x78: {  	_ =	shalt  }
0x79: {  	_ =	shalt  }
0x7a: {  	_ =	shalt  }
0x7b: {  	_ =	shalt  }
0x7c: {  	_ =	shalt  }
0x7d: {  	_ =	shalt  }
0x7e: {  	_ =	shalt  }
0x7f: {  	_ =	shalt  }
0x80: {  	_ =	shalt  }
0x81: {  	_ =	shalt  }
0x82: {  	_ =	shalt  }
0x83: {  	_ =	shalt  }
0x84: {  	_ =	shalt  }
0x85: {  	_ =	shalt  }
0x86: {  	_ =	shalt  }
0x87: {  	_ =	shalt  }
.Lfunc_end0:
.L_simem_size_0:
called_computation_lowered:
.L_overlay_start_0:
0x88: {  	s2 =	sld [smem:$0x3FD9]  }
0x89: {  	s3 =	sld [smem:$0x3FFE];
	_ =	sdelay $0x1  }
0x8a: {  	s1 =	srdreg.scid  }
0x8b: {  	s0 =	sand.u32 $0x1, s1  }
0x8c: {  	s17 =	sshll.u32 s0, $0xA;
	s2 =	sadd.s32 s3, s2  }
0x8d: {  	s2 =	sadd.s32 s2, s17  }
0x8e: {  	[smem:$0x3FC3] =	sst s2  }
0x8f: {  	_ = 	snop  }
0x90: {  	s2 =	sld [smem:$0x3FC9];
	(tm) =	ssettm $0x1  }
0x91: {  	s18 =	sld [smem:$0x3FFB];
	_ =	sdelay $0x3  }
0x92: {  	_ =	strace s18  }
0x93: {  	s3 =	sld [smem:$0x3FFC];
	_ =	sdelay $0x3  }
0x94: {  	_ =	strace s3  }
0x95: {  	s3 =	sld [smem:$0x3FFD];
	_ =	sdelay $0x3  }
0x96: {  	_ =	strace s3  }
0x97: {  	_ =	strace $0x8FFFFFFF  }
0x98: {  	s19 =	sld [smem:$0x3FDB];
	_ =	sdelay $0x1  }
0x99: {  	s4 =	simm.s32 $_scs_section_size  }
0x9a: {  	s5 =	simm.s32 $_size__tile_overlayer_lowered;
	s6 =	simm.s32 $_tile_overlayer_lowered  }
0x9b: {  	s22 =	simm.s32 $0x1BFF;
	s21 =	sshll.u32 s6, $0x1;
	s3 =	sadd.s32 s4, s19  }
0x9c: {  	s7 =	simm.s32 $0x0;
	s20 =	sshll.u32 s5, $0x1;
	s5 =	sadd.s32 s21, s3  }
0x9d: {  	[timem:s7], [sflag:s22] =	dma.local [hbm:s5], s20  }
0x9e: {  	_ =	swait.ge [sflag:s22], s20  }
0x9f: {  	s4 =	ssub.s32 $0x0, s20;
	[sflag:s22] =	ssyncset.done $0x0  }
0xa0: {  	[sflag:s22] =	ssyncadd.s32 s4;
	_ =	sdelay $0x1  }
0xa1: {  	s23 =	simm.s32 $0x1B8B  }
0xa2: {  	_ =	swait.ge [sflag:s23], $0x1  }
0xa3: {  	[sflag:s23] =	ssyncset.done $0x0  }
0xa4: {  	s25 =	simm.s32 $0x1B8E;
	s24 =	sld [smem:$0x3FFE];
	[sflag:s23] =	ssyncadd.s32 $0xFFFFFFFF  }
0xa5: {  	s26 =	simm.s32 $execute0_lowered;
	[smem:$0x3FD2] =	sst s25  }
0xa6: {  	s5 =	sshll.u32 s26, $0x1;
	_ =	strace $0x80000046;
	[dreg:$0x1] =	wrdreg $0xFFFFFFFF  }
0xa7: {  	s28 =	simm.s32 $_size_execute0_lowered;
	s3 =	sadd.s32 s3, s5;
	[dreg:$0x0] =	wrdreg $0x0  }
0xa8: {  	s5 =	sshll.u32 s28, $0x1;
	[dreg:$0x2] =	wrdreg s3  }
0xa9: {  	[dreg:$0x3] =	wrdreg s5  }
0xaa: {  	[dreg:$0x4] =	wrdreg $0xC0  }
0xab: {  	_ =	task [dreg:s7], $0x5FFFF  }
0xac: {  	[dreg:$0x1] =	wrdreg $0xFFFFFFFF  }
0xad: {  	[dreg:$0x0] =	wrdreg $0x60  }
0xae: {  	[dreg:$0x2] =	wrdreg s2  }
0xaf: {  	[dreg:$0x3] =	wrdreg s24  }
0xb0: {  	[dreg:$0x4] =	wrdreg $0x9  }
0xb1: {  	_ =	task.clear_ibuf [dreg:s7], $0x5FFFF;
	_ =	strace $0x90000046  }
0xb2: {  	s29 =	simm.s32 $0x9;
	_ =	strace $0x80000048  }
0xb3: {  	_ =	swait.ge [sflag:s29], $0x1  }
0xb4: {  	[sflag:s29] =	ssyncadd.s32 $0xFFFFFFFF  }
0xb5: {  	_ =	strace $0x90000048  }
0xb6: {  	_ =	sfence  }
0xb7: {  	s30 =	sld [smem:$0x0];
	_ =	sdelay $0x2  }
0xb8: {  	s31 =	sshll.u32 s1, $0xD;
	s1 =	sshrl.u32 s1, $0x2  }
0xb9: {  	s3 =	sand.u32 $0x4000, s31;
	s1 =	sadd.s32 s1, s30  }
0xba: {  	s0 =	sor.u32 s3, s0;
	s1 =	sshll.u32 s1, $0x11  }
0xbb: {  	s0 =	sor.u32 s1, s0  }
0xbc: {  	s0 =	sadd.s32 $0x8F2B, s0  }
0xbd: {  	[sflag:s0] =	ssyncadd.remote.s32 $0x1  }
0xbe: {  	_ =	sfence.sel $0xFFFF  }
0xbf: {  	[dreg:$0x0] =	wrdreg $0xFFFFFFFF;
	(pc) =	sbr.abs _section_cstart, $3  }
0xc0: {  	[dreg:$0x1] =	wrdreg $0xFFFFFFFF  }
0xc1: {  	_ =	task.clear_ibuf [dreg:s7], $0x2FFFF;
	_ =	strace $0x9FFFFFFF  }
0xc2: {  	(tm) =	ssettm $0x7FFFFFFF  }
0xc3: {  	_ =	shalt  }
tec
execute0_lowered:
.L_overlay_start_1:
0x0: {  	(tag) =	ssettag $0x1  }
0x1: {  	s1 =	srdreg.scid  }
0x2: {  	s3 =	rddreg [dreg:$0x0];
	s0 =	stileid.u32  }
0x3: {  	s5 =	rddreg [dreg:$0x1];
	s2 =	simm.s32 $0x0;
	s8 =	simm.s32 $0x80  }
0x4: {  	s26 =	simm.s32 $0x880;
	s9 =	simm.s32 $0x1080;
	s10 =	simm.s32 $0x1880  }
0x5: {  	s11 =	simm.s32 $0x2080;
	s12 =	simm.s32 $0x2880;
	s13 =	simm.s32 $0x3080  }
0x6: {  	s14 =	simm.s32 $0x3880;
	s15 =	simm.s32 $0x4080;
	s16 =	simm.s32 $0x4880  }
0x7: {  	s17 =	simm.s32 $0x5080;
	s18 =	simm.s32 $0x5880;
	s19 =	simm.s32 $0x6080  }
0x8: {  	s20 =	simm.s32 $0x6880;
	s21 =	simm.s32 $0x7080;
	s22 =	simm.s32 $0x7880  }
0x9: {  	s23 =	simm.s32 $0x8080;
	s24 =	simm.s32 $0x8880;
	s25 =	simm.s32 $0x9080  }
0xa: {  	s28 =	simm.s32 $0xA080;
	s29 =	simm.s32 $0xA880;
	s30 =	simm.s32 $0xB080  }
0xb: {  	s31 =	simm.s32 $0xB880;
	s1 =	sand.u32 $0x1, s1;
	[smem:$0x7FF] =	sst s2  }
0xc: {  	s4 =	sshll.u32 s0, $0x4;
	s6 =	sshll.u32 s1, $0x3;
	_ =	strace $0x80000047  }
0xd: {  	s1 =	ssub.s32 $0x2, s1;
	[dreg:$0x5] =	wrdreg s26;
	s4 =	sor.u32 s6, s4  }
0xe: {  	s7 =	sshrl.u32 s1, $0x1;
	s6 =	sadd.s32 s4, s5;
	s4 =	smul.u32 $0x300, s4  }
0xf: {  	s26 =	simm.s32 $0x9880;
	s1 =	ssub.s32 s1, s7;
	s6 =	sadd.s32 $0x2600, s6  }
0x10: {  	v2 =	vlaneseq.u32;
	s7 =	simm.s32 $0x2;
	[dreg:$0x3] =	wrdreg s6;
	s4 =	sadd.s32 s3, s4  }
0x11: {  	vm0 =	vmmov $0xffff;
	v1 =	vshrl.u32 v2, $0x3;
	s3 =	sadd.s32 $0x2800, s5;
	s6 =	smax.u32 s1, $0x1;
	s1 =	simm.s32 $0x1  }
0x12: {  	v0 =	vand.u32 $0x7, v2;
	v2 =	vor.u32 $0x8, v2;
	v1 =	vmul.u32 $0x8, v1;
	[dreg:$0x4] =	wrdreg s4;
	s4 =	sadd.s32 $0x2900, s5;
	s5 =	sadd.s32 $0x2A00, s5  }
.LBB2_1:
0x13: {  	s0 =	rddreg [dreg:$0x3]  }
0x14: {  	[tilespmem:s2], [sflag:$0x2] =	stream.linear.gather [hbm4b:s0+s2], $0x40, $0x38;
	[tilespmem:$0xC080] =	vst v63  }
0x15: {  	_ =	swait.ge [sflag:s7], $0x40  }
0x16: {  	[sflag:s7] =	ssyncset.done $0x0  }
0x17: {  	s0 =	rddreg [dreg:$0x4];
	[sflag:s7] =	ssyncadd.s32 $0xFFFFFFC0  }
0x18: {  	[tilespmem:s8], [sflag:$0x2] =	stream.linear.gather [hbm4b:s0+s2], $0xC000, $0x38;
	[tilespmem:$0xC080] =	vst v63  }
0x19: {  	_ =	swait.ge [sflag:s7], $0xC000  }
0x1a: {  	[sflag:s7] =	ssyncset.done $0x0  }
0x1b: {  	[sflag:s7] =	ssyncadd.s32 $0xFFFF4000  }
0x1c: {  	v3 =	vld [tilespmem:$0x0];
	_ =	sdelay $0x4  }
0x1d: {  	v4 =	vshrl.u32 v3, $0x3  }
0x1e: {  	v4 =	vmul.u32 $0x30, v4  }
0x1f: {  	v3 =	vand.u32 $0x7, v3  }
0x20: {  	v3 =	vor.u32 v3, v4  }
0x21: {  	v4 =	vperm.xlane v3, v0;
	_ =	sdelay $0x1  }
0x22: {  	v4 =	vadd.s32 v1, v4;
	_ =	sdelay $0x3  }
0x23: {  	v3 =	vperm.xlane v3, v2  }
0x24: {  	[hbm4b:s3+s2] =	stream.indirect_vreg.scatter [tilespmem:s8], [sflag:$0x1], $0x80, v4, vm0, $0xb8;
	[tilespmem:$0xC080] =	vst v63  }
0x25: {  	s0 =	rddreg [dreg:$0x5];
	v3 =	vadd.s32 v1, v3  }
0x26: {  	[hbm4b:s4+s2] =	stream.indirect_vreg.scatter [tilespmem:s0], [sflag:$0x1], $0x80, v4, vm0, $0xb8;
	[tilespmem:$0xC080] =	vst v63  }
0x27: {  	_ = 	snop  }
0x28: {  	[hbm4b:s5+s2] =	stream.indirect_vreg.scatter [tilespmem:s9], [sflag:$0x1], $0x80, v4, vm0, $0xb8;
	[tilespmem:$0xC080] =	vst v63  }
0x29: {  	_ = 	snop  }
0x2a: {  	[hbm4b:s3+s2] =	stream.indirect_vreg.scatter [tilespmem:s10], [sflag:$0x1], $0x80, v3, vm0, $0xb8;
	[tilespmem:$0xC080] =	vst v63  }
0x2b: {  	_ = 	snop  }
0x2c: {  	[hbm4b:s4+s2] =	stream.indirect_vreg.scatter [tilespmem:s11], [sflag:$0x1], $0x80, v3, vm0, $0xb8;
	[tilespmem:$0xC080] =	vst v63  }
0x2d: {  	_ = 	snop  }
0x2e: {  	[hbm4b:s5+s2] =	stream.indirect_vreg.scatter [tilespmem:s12], [sflag:$0x1], $0x80, v3, vm0, $0xb8;
	[tilespmem:$0xC080] =	vst v63  }
0x2f: {  	v3 =	vld [tilespmem:$0x10];
	_ =	sdelay $0x4  }
0x30: {  	v61 =	vshrl.u32 v3, $0x3  }
0x31: {  	v4 =	vmul.u32 $0x30, v61  }
0x32: {  	v3 =	vand.u32 $0x7, v3  }
0x33: {  	v3 =	vor.u32 v3, v4  }
0x34: {  	v4 =	vperm.xlane v3, v0;
	_ =	sdelay $0x1  }
0x35: {  	v4 =	vadd.s32 v1, v4;
	_ =	sdelay $0x3  }
0x36: {  	v3 =	vperm.xlane v3, v2  }
0x37: {  	[hbm4b:s3+s2] =	stream.indirect_vreg.scatter [tilespmem:s13], [sflag:$0x1], $0x80, v4, vm0, $0xb8;
	[tilespmem:$0xC080] =	vst v63  }
0x38: {  	v3 =	vadd.s32 v1, v3  }
0x39: {  	[hbm4b:s4+s2] =	stream.indirect_vreg.scatter [tilespmem:s14], [sflag:$0x1], $0x80, v4, vm0, $0xb8;
	[tilespmem:$0xC080] =	vst v63  }
0x3a: {  	_ = 	snop  }
0x3b: {  	[hbm4b:s5+s2] =	stream.indirect_vreg.scatter [tilespmem:s15], [sflag:$0x1], $0x80, v4, vm0, $0xb8;
	[tilespmem:$0xC080] =	vst v63  }
0x3c: {  	_ = 	snop  }
0x3d: {  	[hbm4b:s3+s2] =	stream.indirect_vreg.scatter [tilespmem:s16], [sflag:$0x1], $0x80, v3, vm0, $0xb8;
	[tilespmem:$0xC080] =	vst v63  }
0x3e: {  	_ = 	snop  }
0x3f: {  	[hbm4b:s4+s2] =	stream.indirect_vreg.scatter [tilespmem:s17], [sflag:$0x1], $0x80, v3, vm0, $0xb8;
	[tilespmem:$0xC080] =	vst v63  }
0x40: {  	_ = 	snop  }
0x41: {  	[hbm4b:s5+s2] =	stream.indirect_vreg.scatter [tilespmem:s18], [sflag:$0x1], $0x80, v3, vm0, $0xb8;
	[tilespmem:$0xC080] =	vst v63  }
0x42: {  	v3 =	vld [tilespmem:$0x20];
	_ =	sdelay $0x4  }
0x43: {  	v62 =	vshrl.u32 v3, $0x3  }
0x44: {  	v4 =	vmul.u32 $0x30, v62  }
0x45: {  	v3 =	vand.u32 $0x7, v3  }
0x46: {  	v3 =	vor.u32 v3, v4  }
0x47: {  	v4 =	vperm.xlane v3, v0;
	_ =	sdelay $0x1  }
0x48: {  	v4 =	vadd.s32 v1, v4;
	_ =	sdelay $0x3  }
0x49: {  	v3 =	vperm.xlane v3, v2  }
0x4a: {  	[hbm4b:s3+s2] =	stream.indirect_vreg.scatter [tilespmem:s19], [sflag:$0x1], $0x80, v4, vm0, $0xb8;
	[tilespmem:$0xC080] =	vst v63  }
0x4b: {  	v3 =	vadd.s32 v1, v3  }
0x4c: {  	[hbm4b:s4+s2] =	stream.indirect_vreg.scatter [tilespmem:s20], [sflag:$0x1], $0x80, v4, vm0, $0xb8;
	[tilespmem:$0xC080] =	vst v63  }
0x4d: {  	_ = 	snop  }
0x4e: {  	[hbm4b:s5+s2] =	stream.indirect_vreg.scatter [tilespmem:s21], [sflag:$0x1], $0x80, v4, vm0, $0xb8;
	[tilespmem:$0xC080] =	vst v63  }
0x4f: {  	_ = 	snop  }
0x50: {  	[hbm4b:s3+s2] =	stream.indirect_vreg.scatter [tilespmem:s22], [sflag:$0x1], $0x80, v3, vm0, $0xb8;
	[tilespmem:$0xC080] =	vst v63  }
0x51: {  	_ = 	snop  }
0x52: {  	[hbm4b:s4+s2] =	stream.indirect_vreg.scatter [tilespmem:s23], [sflag:$0x1], $0x80, v3, vm0, $0xb8;
	[tilespmem:$0xC080] =	vst v63  }
0x53: {  	_ = 	snop  }
0x54: {  	[hbm4b:s5+s2] =	stream.indirect_vreg.scatter [tilespmem:s24], [sflag:$0x1], $0x80, v3, vm0, $0xb8;
	[tilespmem:$0xC080] =	vst v63  }
0x55: {  	v3 =	vld [tilespmem:$0x30];
	_ =	sdelay $0x4  }
0x56: {  	v63 =	vshrl.u32 v3, $0x3  }
0x57: {  	v4 =	vmul.u32 $0x30, v63  }
0x58: {  	v3 =	vand.u32 $0x7, v3  }
0x59: {  	v3 =	vor.u32 v3, v4  }
0x5a: {  	v4 =	vperm.xlane v3, v0;
	_ =	sdelay $0x1  }
0x5b: {  	v4 =	vadd.s32 v1, v4;
	_ =	sdelay $0x3  }
0x5c: {  	v3 =	vperm.xlane v3, v2  }
0x5d: {  	[hbm4b:s3+s2] =	stream.indirect_vreg.scatter [tilespmem:s25], [sflag:$0x1], $0x80, v4, vm0, $0xb8;
	[tilespmem:$0xC080] =	vst v63  }
0x5e: {  	v3 =	vadd.s32 v1, v3  }
0x5f: {  	[hbm4b:s4+s2] =	stream.indirect_vreg.scatter [tilespmem:s26], [sflag:$0x1], $0x80, v4, vm0, $0xb8;
	[tilespmem:$0xC080] =	vst v63  }
0x60: {  	_ = 	snop  }
0x61: {  	[hbm4b:s5+s2] =	stream.indirect_vreg.scatter [tilespmem:s28], [sflag:$0x1], $0x80, v4, vm0, $0xb8;
	[tilespmem:$0xC080] =	vst v63  }
0x62: {  	_ = 	snop  }
0x63: {  	[hbm4b:s3+s2] =	stream.indirect_vreg.scatter [tilespmem:s29], [sflag:$0x1], $0x80, v3, vm0, $0xb8;
	[tilespmem:$0xC080] =	vst v63  }
0x64: {  	p0 =	sne.s32 s6, $0x1  }
0x65: {  	[hbm4b:s4+s2] =	stream.indirect_vreg.scatter [tilespmem:s30], [sflag:$0x1], $0x80, v3, vm0, $0xb8;
	[tilespmem:$0xC080] =	vst v63  }
.Ltmp0:
0x66: {  	_ = 	snop;
	(pc) =	sbr.rel @p0 .LBB2_1-.Ltmp0, $4  }
0x67: {  	[hbm4b:s5+s2] =	stream.indirect_vreg.scatter [tilespmem:s31], [sflag:$0x1], $0x80, v3, vm0, $0xb8;
	[tilespmem:$0xC080] =	vst v63  }
0x68: {  	_ =	swait.ge [sflag:s1], $0xC000  }
0x69: {  	[sflag:s1] =	ssyncset.done $0x0  }
0x6a: {  	s6 =	sadd.s32 $0xFFFFFFFF, s6;
	[sflag:s1] =	ssyncadd.s32 $0xFFFF4000  }
0x6b: {  	_ =	sfence.sel $0x180000  }
0x6c: {  	[bflag:$0x0] =	sbarrier.arrive $0xFFFF  }
0x6d: {  	_ =	strace $0x90000047  }
0x6e: {  	s0 =	stileid.u32;
	[bflag:$0x2] =	sbarrier.arrive $0xFFFF  }
0x6f: {  	p0 =	sne.s32 s0, $0x0;
	s0 =	rddreg [dreg:$0x2]  }
0x70: {  	s0 =	sadd.s32 @!p0 $0x100000, s0  }
0x71: {  	[sflag:s0] =	ssyncadd.tile.s32 @!p0 $0x1;
	_ =	shalt  }
.Lfunc_end2:
_tile_overlayer_lowered:
.L_overlay_start_2:
0x72: {  	(tag) =	ssettag $0x2  }
0x73: {  	s0 =	rddreg [dreg:$0x0];
	s2 =	stileid.u32  }
0x74: {  	s1 =	rddreg [dreg:$0x1];
	p0 =	sne.s32 s2, $0x0  }
0x75: {  	s3 =	rddreg [dreg:$0x2];
	[bflag:$0x3] =	sbarrier.arrive $0xFFFF;
	s2 =	simm.s32 @!p0 $0x1C02  }
0x76: {  	[timem:s3], [sflag:s2] =	dma.local @!p0 [hbm:s0], s1  }
0x77: {  	s0 =	simm.s32 @!p0 $0x2  }
0x78: {  	_ =	swait.ge @!p0 [sflag:s0], s1  }
0x79: {  	s1 =	ssub.s32 @!p0 $0x0, s1;
	[sflag:s0] =	ssyncset.done @!p0 $0x0  }
0x7a: {  	[sflag:s0] =	ssyncadd.s32 @!p0 s1  }
0x7b: {  	[bflag:$0x3] =	sbarrier.arrive $0xFFFF  }
0x7c: {  	_ =	shalt  }

// kernel: kernel.9.cloned.1.call-start
scs
__scs_entry_jumppad:
0x0: {  	(pc) =	sbr.rel $0x88, $3  }
0x1: {  	(tag) =	ssettag $0x0;
	lr =	simm.s32 $0x1  }
0x2: {  	[smem:$0x3F9C] =	sst lr;
	_ =	strace $0xD0000000  }
0x3: {  	_ = 	snop  }
0x4: {  	_ = 	snop  }
0x5: {  	_ = 	snop  }
0x6: {  	_ = 	snop  }
0x7: {  	_ = 	snop  }
__scs_overlays_trampoline_lowered:
0x8: {  	[smem:$0x3FAB] =	sst s0  }
0x9: {  	[smem:$0x3FAC] =	sst s1  }
0xa: {  	[smem:$0x3FAD] =	sst s2  }
0xb: {  	[smem:$0x3FAE] =	sst s3  }
0xc: {  	[smem:$0x3FAF] =	sst s4  }
0xd: {  	[smem:$0x3FB0] =	sst s5  }
0xe: {  	[smem:$0x3FB1] =	sst s6  }
0xf: {  	[smem:$0x3FB2] =	sst s7  }
0x10: {  	[smem:$0x3FB3] =	sst s8  }
0x11: {  	[smem:$0x3FB4] =	sst s9;
	s0 =	simm.s32 @!p0 $0x0  }
0x12: {  	s1 =	sld [smem:$0x3F9A];
	s0 =	simm.s32 @p0 $0x1  }
0x13: {  	[smem:$0x3FB5] =	sst s0;
	s0 =	simm.s32 @!p1 $0x0  }
0x14: {  	s2 =	sld [smem:$0x3F99];
	s0 =	simm.s32 @p1 $0x1  }
0x15: {  	[smem:$0x3FB6] =	sst s0;
	s0 =	simm.s32 @!p2 $0x0  }
0x16: {  	s3 =	sld [smem:$0x3FDB];
	s0 =	simm.s32 @p2 $0x1  }
0x17: {  	s4 =	simm.s32 $0x1BF5;
	[smem:$0x3FB8] =	sst s0  }
0x18: {  	s0 =	sld [smem:$0x3F9B];
	_ =	swait.ge [sflag:s4], $0x0  }
0x19: {  	s7 =	sld [smem:$0x3F9C]  }
0x1a: {  	s8 =	sadd.s32 $0xFFFFE003, lr  }
0x1b: {  	s9 =	sadd.s32 $0xFFFFFEF7, lr;
	s5 =	simm.s32 $0xFFFFFFFF;
	p2 =	slt.u32 s8, $0xFFFFF086  }
0x1c: {  	p1 =	slt.u32 s9, $0xF7A;
	s5 =	simm.s32 @!p2 $0x0  }
0x1d: {  	s5 =	simm.s32 @p1 $0x1;
	p0 =	seq.s32 s7, s2  }
0x1e: {  	s7 =	smul.u32 @!p0 $0xF7A, s2;
	p2 =	seq.s32 @!p0 s5, $0x0  }
0x1f: {  	s9 =	smul.u32 $0xF7A, s1;
	s8 =	simm.s32 @!p0 $0x1BF5;
	p2 =	por !p2, p0  }
0x20: {  	[sflag:s8] =	ssyncset.s32 @!p0 $0xFFFFF086;
	s6 =	sadd.s32 @!p0 s3, s7;
	s7 =	simm.s32 @!p0 $0x108  }
0x21: {  	s3 =	sadd.s32 s3, s9;
	s6 =	sadd.s32 @!p0 $0x88, s6;
	s7 =	simm.s32 @p2 $0x1082  }
0x22: {  	[simem:s7], [sflag:s8] =	dma.local @!p0 [hbm:s6], $0xF7A  }
0x23: {  	s9 =	sor.u32 $0xD0000000, s2;
	s6 =	simm.s32 $0x108;
	_ =	swait.ge @!p0 [sflag:s8], $0x0  }
0x24: {  	s3 =	sadd.s32 $0x88, s3;
	s6 =	simm.s32 @!p1 $0x1082;
	[sflag:s4] =	ssyncset.s32 $0xFFFFF086  }
0x25: {  	[simem:s6], [sflag:s4] =	dma.local [hbm:s3], $0xF7A  }
0x26: {  	[smem:$0x3F9C] =	sst s1;
	(tag) =	ssettag s2;
	_ =	strace s9  }
0x27: {  	s1 =	sld [smem:$0x3FAC]  }
0x28: {  	s2 =	sld [smem:$0x3FAD]  }
0x29: {  	s4 =	sld [smem:$0x3FAF]  }
0x2a: {  	p0 =	seq.s32 s5, $0x0;
	s5 =	sld [smem:$0x3FB0]  }
0x2b: {  	s6 =	sld [smem:$0x3FB1]  }
0x2c: {  	s7 =	sld [smem:$0x3FB2]  }
0x2d: {  	s3 =	simm.s32 $0x108;
	s8 =	sld [smem:$0x3FB3]  }
0x2e: {  	s3 =	simm.s32 @!p0 $0x1082;
	s9 =	sld [smem:$0x3FB4]  }
0x2f: {  	lr =	sadd.s32 s0, s3;
	s0 =	sld [smem:$0x3FAB]  }
0x30: {  	s3 =	sld [smem:$0x3FAE]  }
0x31: {  	[smem:$0x3FB7] =	sst s10  }
0x32: {  	s10 =	sld [smem:$0x3FB5];
	_ =	sdelay $0x3  }
0x33: {  	p0 =	seq.s32 s10, $0x1;
	s10 =	sld [smem:$0x3FB7];
	_ =	sdelay $0x3  }
0x34: {  	[smem:$0x3FB7] =	sst s10  }
0x35: {  	s10 =	sld [smem:$0x3FB6];
	_ =	sdelay $0x3  }
0x36: {  	p1 =	seq.s32 s10, $0x1;
	s10 =	sld [smem:$0x3FB7];
	_ =	sdelay $0x3  }
0x37: {  	[smem:$0x3FB7] =	sst s10  }
0x38: {  	s10 =	sld [smem:$0x3FB8]  }
0x39: {  	_ = 	snop;
	(pc) =	sbr.ind lr, $3  }
0x3a: {  	_ = 	snop  }
0x3b: {  	_ = 	snop  }
0x3c: {  	p2 =	seq.s32 s10, $0x1;
	s10 =	sld [smem:$0x3FB7]  }
0x3d: {  	_ =	shalt  }
0x3e: {  	_ =	shalt  }
0x3f: {  	_ =	shalt  }
0x40: {  	_ =	shalt  }
0x41: {  	_ =	shalt  }
0x42: {  	_ =	shalt  }
0x43: {  	_ =	shalt  }
0x44: {  	_ =	shalt  }
0x45: {  	_ =	shalt  }
0x46: {  	_ =	shalt  }
0x47: {  	_ =	shalt  }
0x48: {  	_ =	shalt  }
0x49: {  	_ =	shalt  }
0x4a: {  	_ =	shalt  }
0x4b: {  	_ =	shalt  }
0x4c: {  	_ =	shalt  }
0x4d: {  	_ =	shalt  }
0x4e: {  	_ =	shalt  }
0x4f: {  	_ =	shalt  }
0x50: {  	_ =	shalt  }
0x51: {  	_ =	shalt  }
0x52: {  	_ =	shalt  }
0x53: {  	_ =	shalt  }
0x54: {  	_ =	shalt  }
0x55: {  	_ =	shalt  }
0x56: {  	_ =	shalt  }
0x57: {  	_ =	shalt  }
0x58: {  	_ =	shalt  }
0x59: {  	_ =	shalt  }
0x5a: {  	_ =	shalt  }
0x5b: {  	_ =	shalt  }
0x5c: {  	_ =	shalt  }
0x5d: {  	_ =	shalt  }
0x5e: {  	_ =	shalt  }
0x5f: {  	_ =	shalt  }
0x60: {  	_ =	shalt  }
0x61: {  	_ =	shalt  }
0x62: {  	_ =	shalt  }
0x63: {  	_ =	shalt  }
0x64: {  	_ =	shalt  }
0x65: {  	_ =	shalt  }
0x66: {  	_ =	shalt  }
0x67: {  	_ =	shalt  }
0x68: {  	_ =	shalt  }
0x69: {  	_ =	shalt  }
0x6a: {  	_ =	shalt  }
0x6b: {  	_ =	shalt  }
0x6c: {  	_ =	shalt  }
0x6d: {  	_ =	shalt  }
0x6e: {  	_ =	shalt  }
0x6f: {  	_ =	shalt  }
0x70: {  	_ =	shalt  }
0x71: {  	_ =	shalt  }
0x72: {  	_ =	shalt  }
0x73: {  	_ =	shalt  }
0x74: {  	_ =	shalt  }
0x75: {  	_ =	shalt  }
0x76: {  	_ =	shalt  }
0x77: {  	_ =	shalt  }
0x78: {  	_ =	shalt  }
0x79: {  	_ =	shalt  }
0x7a: {  	_ =	shalt  }
0x7b: {  	_ =	shalt  }
0x7c: {  	_ =	shalt  }
0x7d: {  	_ =	shalt  }
0x7e: {  	_ =	shalt  }
0x7f: {  	_ =	shalt  }
0x80: {  	_ =	shalt  }
0x81: {  	_ =	shalt  }
0x82: {  	_ =	shalt  }
0x83: {  	_ =	shalt  }
0x84: {  	_ =	shalt  }
0x85: {  	_ =	shalt  }
0x86: {  	_ =	shalt  }
0x87: {  	_ =	shalt  }
.Lfunc_end0:
.L_simem_size_0:
called_computation.1_lowered:
.L_overlay_start_0:
0x88: {  	s2 =	sld [smem:$0x3FD9]  }
0x89: {  	s3 =	sld [smem:$0x3FFE];
	_ =	sdelay $0x1  }
0x8a: {  	s1 =	srdreg.scid  }
0x8b: {  	s0 =	sand.u32 $0x1, s1  }
0x8c: {  	s17 =	sshll.u32 s0, $0xA;
	s2 =	sadd.s32 s3, s2  }
0x8d: {  	s2 =	sadd.s32 s2, s17  }
0x8e: {  	[smem:$0x3FC3] =	sst s2  }
0x8f: {  	_ = 	snop  }
0x90: {  	s2 =	sld [smem:$0x3FD0];
	(tm) =	ssettm $0x1  }
0x91: {  	s18 =	sld [smem:$0x3FFB];
	_ =	sdelay $0x3  }
0x92: {  	_ =	strace s18  }
0x93: {  	s3 =	sld [smem:$0x3FFC];
	_ =	sdelay $0x3  }
0x94: {  	_ =	strace s3  }
0x95: {  	s3 =	sld [smem:$0x3FFD];
	_ =	sdelay $0x3  }
0x96: {  	_ =	strace s3  }
0x97: {  	_ =	strace $0x8FFFFFFF  }
0x98: {  	s19 =	sld [smem:$0x3FDB];
	_ =	sdelay $0x1  }
0x99: {  	s4 =	simm.s32 $_scs_section_size  }
0x9a: {  	s5 =	simm.s32 $_size__tile_overlayer_lowered;
	s6 =	simm.s32 $_tile_overlayer_lowered  }
0x9b: {  	s22 =	simm.s32 $0x1BFF;
	s21 =	sshll.u32 s6, $0x1;
	s3 =	sadd.s32 s4, s19  }
0x9c: {  	s7 =	simm.s32 $0x0;
	s20 =	sshll.u32 s5, $0x1;
	s5 =	sadd.s32 s21, s3  }
0x9d: {  	[timem:s7], [sflag:s22] =	dma.local [hbm:s5], s20  }
0x9e: {  	_ =	swait.ge [sflag:s22], s20  }
0x9f: {  	s4 =	ssub.s32 $0x0, s20;
	[sflag:s22] =	ssyncset.done $0x0  }
0xa0: {  	[sflag:s22] =	ssyncadd.s32 s4;
	_ =	sdelay $0x1  }
0xa1: {  	s23 =	simm.s32 $0x1B8B  }
0xa2: {  	_ =	swait.ge [sflag:s23], $0x1  }
0xa3: {  	[sflag:s23] =	ssyncset.done $0x0  }
0xa4: {  	s25 =	simm.s32 $0x1B8E;
	s24 =	sld [smem:$0x3FFE];
	[sflag:s23] =	ssyncadd.s32 $0xFFFFFFFF  }
0xa5: {  	s26 =	simm.s32 $execute0_lowered;
	[smem:$0x3FD2] =	sst s25  }
0xa6: {  	s5 =	sshll.u32 s26, $0x1;
	_ =	strace $0x80000049;
	[dreg:$0x1] =	wrdreg $0xFFFFFFFF  }
0xa7: {  	s28 =	simm.s32 $_size_execute0_lowered;
	s3 =	sadd.s32 s3, s5;
	[dreg:$0x0] =	wrdreg $0x0  }
0xa8: {  	s5 =	sshll.u32 s28, $0x1;
	[dreg:$0x2] =	wrdreg s3  }
0xa9: {  	[dreg:$0x3] =	wrdreg s5  }
0xaa: {  	[dreg:$0x4] =	wrdreg $0xC0  }
0xab: {  	_ =	task [dreg:s7], $0x5FFFF  }
0xac: {  	[dreg:$0x1] =	wrdreg $0xFFFFFFFF  }
0xad: {  	[dreg:$0x0] =	wrdreg $0x60  }
0xae: {  	[dreg:$0x2] =	wrdreg s24  }
0xaf: {  	[dreg:$0x3] =	wrdreg s2  }
0xb0: {  	[dreg:$0x4] =	wrdreg $0x9  }
0xb1: {  	_ =	task.clear_ibuf [dreg:s7], $0x5FFFF;
	_ =	strace $0x90000049  }
0xb2: {  	s29 =	simm.s32 $0x9;
	_ =	strace $0x8000004B  }
0xb3: {  	_ =	swait.ge [sflag:s29], $0x1  }
0xb4: {  	[sflag:s29] =	ssyncadd.s32 $0xFFFFFFFF  }
0xb5: {  	_ =	strace $0x9000004B  }
0xb6: {  	_ =	sfence  }
0xb7: {  	s30 =	sld [smem:$0x0];
	_ =	sdelay $0x2  }
0xb8: {  	s31 =	sshll.u32 s1, $0xD;
	s1 =	sshrl.u32 s1, $0x2  }
0xb9: {  	s3 =	sand.u32 $0x4000, s31;
	s1 =	sadd.s32 s1, s30  }
0xba: {  	s0 =	sor.u32 s3, s0;
	s1 =	sshll.u32 s1, $0x11  }
0xbb: {  	s0 =	sor.u32 s1, s0  }
0xbc: {  	s0 =	sadd.s32 $0x8F2B, s0  }
0xbd: {  	[sflag:s0] =	ssyncadd.remote.s32 $0x1  }
0xbe: {  	_ =	sfence.sel $0xFFFF  }
0xbf: {  	[dreg:$0x0] =	wrdreg $0xFFFFFFFF;
	(pc) =	sbr.abs _section_cstart, $3  }
0xc0: {  	[dreg:$0x1] =	wrdreg $0xFFFFFFFF  }
0xc1: {  	_ =	task.clear_ibuf [dreg:s7], $0x2FFFF;
	_ =	strace $0x9FFFFFFF  }
0xc2: {  	(tm) =	ssettm $0x7FFFFFFF  }
0xc3: {  	_ =	shalt  }
tec
execute0_lowered:
.L_overlay_start_1:
0x0: {  	(tag) =	ssettag $0x1  }
0x1: {  	s0 =	rddreg [dreg:$0x0]  }
0x2: {  	s5 =	rddreg [dreg:$0x1];
	s3 =	srdreg.scid  }
0x3: {  	s2 =	simm.s32 $0x0;
	s1 =	stileid.u32;
	s26 =	simm.s32 $0x880  }
0x4: {  	s10 =	simm.s32 $0x1880;
	s11 =	simm.s32 $0x2080;
	s12 =	simm.s32 $0x2880  }
0x5: {  	s13 =	simm.s32 $0x3080;
	s14 =	simm.s32 $0x3880;
	s15 =	simm.s32 $0x4080  }
0x6: {  	s16 =	simm.s32 $0x4880;
	s17 =	simm.s32 $0x5080;
	s18 =	simm.s32 $0x5880  }
0x7: {  	s19 =	simm.s32 $0x6080;
	s20 =	simm.s32 $0x6880;
	s21 =	simm.s32 $0x7080  }
0x8: {  	s22 =	simm.s32 $0x7880;
	s28 =	simm.s32 $0xA080;
	s29 =	simm.s32 $0xA880  }
0x9: {  	s30 =	simm.s32 $0xB080;
	s31 =	simm.s32 $0xB880;
	s3 =	sand.u32 $0x1, s3  }
0xa: {  	[smem:$0x7FF] =	sst s2;
	s4 =	sshll.u32 s1, $0x4;
	s6 =	sshll.u32 s3, $0x3  }
0xb: {  	_ =	strace $0x8000004A;
	s23 =	ssub.s32 $0x2, s3;
	s3 =	sadd.s32 $0x4A800, s0  }
0xc: {  	[dreg:$0x5] =	wrdreg s26;
	s26 =	simm.s32 $0x9880;
	s4 =	sor.u32 s6, s4  }
0xd: {  	s8 =	sshrl.u32 s23, $0x1;
	s7 =	sadd.s32 s4, s0;
	s9 =	smul.u32 $0x300, s4  }
0xe: {  	s6 =	ssub.s32 s23, s8;
	s4 =	sadd.s32 $0x4A900, s0;
	s8 =	simm.s32 $0x80  }
0xf: {  	s23 =	simm.s32 $0x8080;
	s24 =	sadd.s32 $0x2600, s7;
	s6 =	smax.u32 s6, $0x1  }
0x10: {  	v2 =	vlaneseq.u32;
	s7 =	simm.s32 $0x2;
	[dreg:$0x3] =	wrdreg s24;
	s25 =	sadd.s32 s5, s9  }
0x11: {  	vm0 =	vmmov $0xffff;
	v1 =	vshrl.u32 v2, $0x3;
	s5 =	sadd.s32 $0x4AA00, s0;
	s9 =	simm.s32 $0x1080;
	s24 =	simm.s32 $0x8880  }
0x12: {  	v0 =	vand.u32 $0x7, v2;
	v2 =	vor.u32 $0x8, v2;
	v1 =	vmul.u32 $0x8, v1;
	s0 =	simm.s32 $0x1;
	[dreg:$0x4] =	wrdreg s25;
	s25 =	simm.s32 $0x9080  }
.LBB2_1:
0x13: {  	s1 =	rddreg [dreg:$0x3]  }
0x14: {  	[tilespmem:s2], [sflag:$0x2] =	stream.linear.gather [hbm4b:s1+s2], $0x40, $0x38;
	[tilespmem:$0xC080] =	vst v63  }
0x15: {  	_ =	swait.ge [sflag:s7], $0x40  }
0x16: {  	[sflag:s7] =	ssyncset.done $0x0  }
0x17: {  	[sflag:s7] =	ssyncadd.s32 $0xFFFFFFC0  }
0x18: {  	v3 =	vld [tilespmem:$0x0];
	_ =	sdelay $0x4  }
0x19: {  	v4 =	vshrl.u32 v3, $0x3  }
0x1a: {  	v4 =	vmul.u32 $0x30, v4  }
0x1b: {  	v3 =	vand.u32 $0x7, v3  }
0x1c: {  	v3 =	vor.u32 v3, v4  }
0x1d: {  	v4 =	vperm.xlane v3, v0;
	_ =	sdelay $0x1  }
0x1e: {  	v4 =	vadd.s32 v1, v4;
	_ =	sdelay $0x3  }
0x1f: {  	v3 =	vperm.xlane v3, v2  }
0x20: {  	[tilespmem:s8], [sflag:$0x1] =	stream.indirect_vreg.gather [hbm4b:s3+s2], $0x80, v4, vm0, $0xb8;
	[tilespmem:$0xC080] =	vst v63  }
0x21: {  	s1 =	rddreg [dreg:$0x5];
	v3 =	vadd.s32 v1, v3  }
0x22: {  	[tilespmem:s1], [sflag:$0x1] =	stream.indirect_vreg.gather [hbm4b:s4+s2], $0x80, v4, vm0, $0xb8;
	[tilespmem:$0xC080] =	vst v63  }
0x23: {  	_ = 	snop  }
0x24: {  	[tilespmem:s9], [sflag:$0x1] =	stream.indirect_vreg.gather [hbm4b:s5+s2], $0x80, v4, vm0, $0xb8;
	[tilespmem:$0xC080] =	vst v63  }
0x25: {  	_ = 	snop  }
0x26: {  	[tilespmem:s10], [sflag:$0x1] =	stream.indirect_vreg.gather [hbm4b:s3+s2], $0x80, v3, vm0, $0xb8;
	[tilespmem:$0xC080] =	vst v63  }
0x27: {  	_ = 	snop  }
0x28: {  	[tilespmem:s11], [sflag:$0x1] =	stream.indirect_vreg.gather [hbm4b:s4+s2], $0x80, v3, vm0, $0xb8;
	[tilespmem:$0xC080] =	vst v63  }
0x29: {  	_ = 	snop  }
0x2a: {  	[tilespmem:s12], [sflag:$0x1] =	stream.indirect_vreg.gather [hbm4b:s5+s2], $0x80, v3, vm0, $0xb8;
	[tilespmem:$0xC080] =	vst v63  }
0x2b: {  	v3 =	vld [tilespmem:$0x10];
	_ =	sdelay $0x4  }
0x2c: {  	v61 =	vshrl.u32 v3, $0x3  }
0x2d: {  	v4 =	vmul.u32 $0x30, v61  }
0x2e: {  	v3 =	vand.u32 $0x7, v3  }
0x2f: {  	v3 =	vor.u32 v3, v4  }
0x30: {  	v4 =	vperm.xlane v3, v0;
	_ =	sdelay $0x1  }
0x31: {  	v4 =	vadd.s32 v1, v4;
	_ =	sdelay $0x3  }
0x32: {  	v3 =	vperm.xlane v3, v2  }
0x33: {  	[tilespmem:s13], [sflag:$0x1] =	stream.indirect_vreg.gather [hbm4b:s3+s2], $0x80, v4, vm0, $0xb8;
	[tilespmem:$0xC080] =	vst v63  }
0x34: {  	v3 =	vadd.s32 v1, v3  }
0x35: {  	[tilespmem:s14], [sflag:$0x1] =	stream.indirect_vreg.gather [hbm4b:s4+s2], $0x80, v4, vm0, $0xb8;
	[tilespmem:$0xC080] =	vst v63  }
0x36: {  	_ = 	snop  }
0x37: {  	[tilespmem:s15], [sflag:$0x1] =	stream.indirect_vreg.gather [hbm4b:s5+s2], $0x80, v4, vm0, $0xb8;
	[tilespmem:$0xC080] =	vst v63  }
0x38: {  	_ = 	snop  }
0x39: {  	[tilespmem:s16], [sflag:$0x1] =	stream.indirect_vreg.gather [hbm4b:s3+s2], $0x80, v3, vm0, $0xb8;
	[tilespmem:$0xC080] =	vst v63  }
0x3a: {  	_ = 	snop  }
0x3b: {  	[tilespmem:s17], [sflag:$0x1] =	stream.indirect_vreg.gather [hbm4b:s4+s2], $0x80, v3, vm0, $0xb8;
	[tilespmem:$0xC080] =	vst v63  }
0x3c: {  	_ = 	snop  }
0x3d: {  	[tilespmem:s18], [sflag:$0x1] =	stream.indirect_vreg.gather [hbm4b:s5+s2], $0x80, v3, vm0, $0xb8;
	[tilespmem:$0xC080] =	vst v63  }
0x3e: {  	v3 =	vld [tilespmem:$0x20];
	_ =	sdelay $0x4  }
0x3f: {  	v62 =	vshrl.u32 v3, $0x3  }
0x40: {  	v4 =	vmul.u32 $0x30, v62  }
0x41: {  	v3 =	vand.u32 $0x7, v3  }
0x42: {  	v3 =	vor.u32 v3, v4  }
0x43: {  	v4 =	vperm.xlane v3, v0;
	_ =	sdelay $0x1  }
0x44: {  	v4 =	vadd.s32 v1, v4;
	_ =	sdelay $0x3  }
0x45: {  	v3 =	vperm.xlane v3, v2  }
0x46: {  	[tilespmem:s19], [sflag:$0x1] =	stream.indirect_vreg.gather [hbm4b:s3+s2], $0x80, v4, vm0, $0xb8;
	[tilespmem:$0xC080] =	vst v63  }
0x47: {  	v3 =	vadd.s32 v1, v3  }
0x48: {  	[tilespmem:s20], [sflag:$0x1] =	stream.indirect_vreg.gather [hbm4b:s4+s2], $0x80, v4, vm0, $0xb8;
	[tilespmem:$0xC080] =	vst v63  }
0x49: {  	_ = 	snop  }
0x4a: {  	[tilespmem:s21], [sflag:$0x1] =	stream.indirect_vreg.gather [hbm4b:s5+s2], $0x80, v4, vm0, $0xb8;
	[tilespmem:$0xC080] =	vst v63  }
0x4b: {  	_ = 	snop  }
0x4c: {  	[tilespmem:s22], [sflag:$0x1] =	stream.indirect_vreg.gather [hbm4b:s3+s2], $0x80, v3, vm0, $0xb8;
	[tilespmem:$0xC080] =	vst v63  }
0x4d: {  	_ = 	snop  }
0x4e: {  	[tilespmem:s23], [sflag:$0x1] =	stream.indirect_vreg.gather [hbm4b:s4+s2], $0x80, v3, vm0, $0xb8;
	[tilespmem:$0xC080] =	vst v63  }
0x4f: {  	_ = 	snop  }
0x50: {  	[tilespmem:s24], [sflag:$0x1] =	stream.indirect_vreg.gather [hbm4b:s5+s2], $0x80, v3, vm0, $0xb8;
	[tilespmem:$0xC080] =	vst v63  }
0x51: {  	v3 =	vld [tilespmem:$0x30];
	_ =	sdelay $0x4  }
0x52: {  	v63 =	vshrl.u32 v3, $0x3  }
0x53: {  	v4 =	vmul.u32 $0x30, v63  }
0x54: {  	v3 =	vand.u32 $0x7, v3  }
0x55: {  	v3 =	vor.u32 v3, v4  }
0x56: {  	v4 =	vperm.xlane v3, v0;
	_ =	sdelay $0x1  }
0x57: {  	v4 =	vadd.s32 v1, v4;
	_ =	sdelay $0x3  }
0x58: {  	v3 =	vperm.xlane v3, v2  }
0x59: {  	[tilespmem:s25], [sflag:$0x1] =	stream.indirect_vreg.gather [hbm4b:s3+s2], $0x80, v4, vm0, $0xb8;
	[tilespmem:$0xC080] =	vst v63  }
0x5a: {  	v3 =	vadd.s32 v1, v3  }
0x5b: {  	[tilespmem:s26], [sflag:$0x1] =	stream.indirect_vreg.gather [hbm4b:s4+s2], $0x80, v4, vm0, $0xb8;
	[tilespmem:$0xC080] =	vst v63  }
0x5c: {  	_ = 	snop  }
0x5d: {  	[tilespmem:s28], [sflag:$0x1] =	stream.indirect_vreg.gather [hbm4b:s5+s2], $0x80, v4, vm0, $0xb8;
	[tilespmem:$0xC080] =	vst v63  }
0x5e: {  	_ = 	snop  }
0x5f: {  	[tilespmem:s29], [sflag:$0x1] =	stream.indirect_vreg.gather [hbm4b:s3+s2], $0x80, v3, vm0, $0xb8;
	[tilespmem:$0xC080] =	vst v63  }
0x60: {  	_ = 	snop  }
0x61: {  	[tilespmem:s30], [sflag:$0x1] =	stream.indirect_vreg.gather [hbm4b:s4+s2], $0x80, v3, vm0, $0xb8;
	[tilespmem:$0xC080] =	vst v63  }
0x62: {  	_ = 	snop  }
0x63: {  	[tilespmem:s31], [sflag:$0x1] =	stream.indirect_vreg.gather [hbm4b:s5+s2], $0x80, v3, vm0, $0xb8;
	[tilespmem:$0xC080] =	vst v63  }
0x64: {  	_ =	swait.ge [sflag:s0], $0xC000  }
0x65: {  	p0 =	sne.s32 s6, $0x1;
	[sflag:s0] =	ssyncset.done $0x0  }
.Ltmp0:
0x66: {  	s1 =	rddreg [dreg:$0x4];
	[sflag:s0] =	ssyncadd.s32 $0xFFFF4000;
	(pc) =	sbr.rel @p0 .LBB2_1-.Ltmp0, $4  }
0x67: {  	[hbm4b:s1+s2] =	stream.linear.scatter [tilespmem:s8], [sflag:$0x2], $0xC000, $0x38;
	[tilespmem:$0xC080] =	vst v63  }
0x68: {  	_ =	swait.ge [sflag:s7], $0xC000  }
0x69: {  	[sflag:s7] =	ssyncset.done $0x0  }
0x6a: {  	s6 =	sadd.s32 $0xFFFFFFFF, s6;
	[sflag:s7] =	ssyncadd.s32 $0xFFFF4000  }
0x6b: {  	_ =	sfence.sel $0x180000  }
0x6c: {  	[bflag:$0x0] =	sbarrier.arrive $0xFFFF  }
0x6d: {  	_ =	strace $0x9000004A  }
0x6e: {  	s0 =	stileid.u32;
	[bflag:$0x2] =	sbarrier.arrive $0xFFFF  }
0x6f: {  	p0 =	sne.s32 s0, $0x0;
	s0 =	rddreg [dreg:$0x2]  }
0x70: {  	s0 =	sadd.s32 @!p0 $0x100000, s0  }
0x71: {  	[sflag:s0] =	ssyncadd.tile.s32 @!p0 $0x1;
	_ =	shalt  }
.Lfunc_end2:
_tile_overlayer_lowered:
.L_overlay_start_2:
0x72: {  	(tag) =	ssettag $0x2  }
0x73: {  	s0 =	rddreg [dreg:$0x0];
	s2 =	stileid.u32  }
0x74: {  	s1 =	rddreg [dreg:$0x1];
	p0 =	sne.s32 s2, $0x0  }
0x75: {  	s3 =	rddreg [dreg:$0x2];
	[bflag:$0x3] =	sbarrier.arrive $0xFFFF;
	s2 =	simm.s32 @!p0 $0x1C02  }
0x76: {  	[timem:s3], [sflag:s2] =	dma.local @!p0 [hbm:s0], s1  }
0x77: {  	s0 =	simm.s32 @!p0 $0x2  }
0x78: {  	_ =	swait.ge @!p0 [sflag:s0], s1  }
0x79: {  	s1 =	ssub.s32 @!p0 $0x0, s1;
	[sflag:s0] =	ssyncset.done @!p0 $0x0  }
0x7a: {  	[sflag:s0] =	ssyncadd.s32 @!p0 s1  }
0x7b: {  	[bflag:$0x3] =	sbarrier.arrive $0xFFFF  }
0x7c: {  	_ =	shalt  }

</sc_bundles>
